<compile_context>
chip_gen: v7x
topology: tpu7x:2x2x1
jax: 0.10.2.dev20260603
libtpu: 0.0.44.dev20260713+nightly
codegen_flags: <defaults>
</compile_context>

<pallas_src>
import functools

import jax
import jax.numpy as jnp
from jax import lax
from jax.experimental import pallas as pl
from jax.experimental.pallas import tpu as pltpu
from jax.experimental.pallas import tpu_sc as plsc

D_MODEL = 128
NC, NS = 2, 16
NW = NC * NS
GROUP = 128
RING = 5


def _embed_gather(table, x_flat, n_tokens):
    per_w = n_tokens // NW
    n_groups = per_w // GROUP

    mesh = plsc.VectorSubcoreMesh(core_axis_name="c", subcore_axis_name="s")

    @functools.partial(
        pl.kernel,
        mesh=mesh,
        out_type=jax.ShapeDtypeStruct((n_tokens, D_MODEL), jnp.float32),
        scratch_types=[
            pltpu.VMEM((per_w,), jnp.int32),
            pltpu.VMEM((RING, GROUP, D_MODEL), jnp.float32),
        ]
        + [pltpu.SemaphoreType.DMA] * (2 * RING),
    )
    def k(x_hbm, tab_hbm, out_hbm, idx_v, rows_v, *sems):
        gsems, ssems = sems[:RING], sems[RING:]
        wid = lax.axis_index("s") * NC + lax.axis_index("c")
        ibase = wid * per_w

        pltpu.sync_copy(x_hbm.at[pl.ds(ibase, per_w)], idx_v)

        def fire_gather(g, r):
            pltpu.async_copy(
                tab_hbm.at[idx_v.at[pl.ds(g * GROUP, GROUP)]],
                rows_v.at[r],
                gsems[r],
            )

        def wait_gather(r):
            pltpu.make_async_copy(
                tab_hbm.at[pl.ds(0, GROUP)], rows_v.at[r], gsems[r]
            ).wait()

        def fire_store(g, r):
            pltpu.async_copy(
                rows_v.at[r], out_hbm.at[pl.ds(ibase + g * GROUP, GROUP)],
                ssems[r],
            )

        def wait_store(r):
            pltpu.make_async_copy(
                rows_v.at[r], out_hbm.at[pl.ds(0, GROUP)], ssems[r]
            ).wait()

        def step(g, r, refill_g):
            wait_gather(r)
            fire_store(g, r)
            if refill_g is not None:
                rp = (r - 1) % RING
                wait_store(rp)
                fire_gather(refill_g, rp)

        for r in range(RING):
            fire_gather(r, r)

        step(0, 0, None)
        for r in range(1, RING):
            step(r, r, r + RING - 1)

        def body(t, carry):
            for r in range(RING):
                g = t * RING + r
                step(g, r, g + RING - 1)
            return carry

        lax.fori_loop(1, n_groups // RING - 1, body, 0)

        g0 = n_groups - RING
        step(g0, 0, n_groups - 1)
        for r in range(1, RING):
            step(g0 + r, r, None)

        for r in range(RING):
            wait_store(r)

    return k(x_flat, table)


def kernel(x, W_E):
    batch, pos = x.shape
    n_tokens = batch * pos
    x_flat = x.reshape(n_tokens).astype(jnp.int32)
    table = W_E.T
    out = _embed_gather(table, x_flat, n_tokens)
    return out.reshape(batch, pos, D_MODEL)

# --- scband reference (transcript-rebuilt; emitter-appended) ---
"""Pipeline reference for scband-embed-36464272343085 (READ-ONLY COPY).

The authoritative reference and input builder live on the scoring server;
editing this copy changes nothing except your own understanding.
"""

import jax, jax.numpy as jnp
import numpy as np


def setup_inputs(seed: int = 0) -> dict:
    key = jax.random.key(seed)
    k1, k2 = jax.random.split(key)
    d_model, d_vocab = 128, 100000
    batch, pos = 4096, 200
    x = jax.random.randint(k1, (batch, pos), 0, d_vocab, dtype=jnp.int64 if jax.config.jax_enable_x64 else jnp.int32)
    W_E = jax.random.normal(k2, (d_model, d_vocab), dtype=jnp.float32) / np.sqrt(d_model)
    return {"x": x, "W_E": W_E}


def reference(x, W_E):
    # torch: einsum('dbp -> bpd', W_E[:, x])
    # W_E[:, x] gathers columns -> shape [d_model, batch, pos]; transpose to [batch, pos, d_model]
    gathered = W_E[:, x]
    return jnp.transpose(gathered, (1, 2, 0))

if __name__ == "__main__":
    import jax
    _d = setup_inputs()
    print(jax.jit(kernel)(*tuple(_d.values())))

</pallas_src>

<mosaic_0001>
#map = affine_map<(d0, d1) -> (0)>
#map1 = affine_map<(d0, d1) -> (0, 0)>
module attributes {stable_mosaic.version = 14 : i64} {
  func.func @k(%arg0: i32, %arg1: i32, %arg2: memref<819200xi32, #tpu.memory_space<hbm>>, %arg3: memref<100000x128xf32, #tpu.memory_space<hbm>>, %arg4: memref<819200x128xf32, #tpu.memory_space<hbm>>, %arg5: memref<25600xi32, #tpu.memory_space<vmem>>, %arg6: memref<5x128x128xf32, #tpu.memory_space<vmem>>, %arg7: memref<!tpu.dma_semaphore, #tpu.memory_space<semaphore_mem>>, %arg8: memref<!tpu.dma_semaphore, #tpu.memory_space<semaphore_mem>>, %arg9: memref<!tpu.dma_semaphore, #tpu.memory_space<semaphore_mem>>, %arg10: memref<!tpu.dma_semaphore, #tpu.memory_space<semaphore_mem>>, %arg11: memref<!tpu.dma_semaphore, #tpu.memory_space<semaphore_mem>>, %arg12: memref<!tpu.dma_semaphore, #tpu.memory_space<semaphore_mem>>, %arg13: memref<!tpu.dma_semaphore, #tpu.memory_space<semaphore_mem>>, %arg14: memref<!tpu.dma_semaphore, #tpu.memory_space<semaphore_mem>>, %arg15: memref<!tpu.dma_semaphore, #tpu.memory_space<semaphore_mem>>, %arg16: memref<!tpu.dma_semaphore, #tpu.memory_space<semaphore_mem>>) attributes {dimension_semantics = [#tpu.dimension_semantics<core_parallel>, #tpu.dimension_semantics<subcore_parallel>], iteration_bounds = array<i64: 2, 16>, scalar_prefetch = 0 : i64, scratch_operands = 12 : i64, tpu.core_type = #tpu.core_type<sc_vector_subcore>, window_params = [{transform_indices = #map}, {transform_indices = #map1}, {transform_indices = #map1}]} {
    %mul3A = arith.constant 2 : i32
    %mul3A_0 = arith.muli %arg1, %mul3A : i32
    %add3A = arith.addi %mul3A_0, %arg0 : i32
    %mul3A_1 = arith.constant 25600 : i32
    %mul3A_2 = arith.muli %add3A, %mul3A_1 : i32
    "tpu.region"() ({
      %run_scoped3A = tpu.sem_alloc : memref<!tpu.dma_semaphore, #tpu.memory_space<semaphore_mem>>
      %dma_start3A_556 = tpu.memref_slice %arg2[%mul3A_2] : memref<819200xi32, #tpu.memory_space<hbm>> -> memref<25600xi32, #tpu.memory_space<hbm>>
      %dma_start3A_557 = tpu.memref_slice %arg2[%mul3A_2] : memref<819200xi32, #tpu.memory_space<hbm>> -> memref<25600xi32, #tpu.memory_space<hbm>>
      tpu.enqueue_dma source(%dma_start3A_557 : memref<25600xi32, #tpu.memory_space<hbm>>) target(%arg5 : memref<25600xi32, #tpu.memory_space<vmem>>) target_semaphore(%run_scoped3A : memref<!tpu.dma_semaphore, #tpu.memory_space<semaphore_mem>>)
      %dma_wait3A_558 = tpu.memref_slice %arg2[%mul3A_2] : memref<819200xi32, #tpu.memory_space<hbm>> -> memref<25600xi32, #tpu.memory_space<hbm>>
      %dma_wait3A_559 = tpu.memref_slice %arg2[%mul3A_2] : memref<819200xi32, #tpu.memory_space<hbm>> -> memref<25600xi32, #tpu.memory_space<hbm>>
      tpu.wait_dma2 semaphore(%run_scoped3A : memref<!tpu.dma_semaphore, #tpu.memory_space<semaphore_mem>>) src(%dma_wait3A_559 : memref<25600xi32, #tpu.memory_space<hbm>>) dst(%arg5 : memref<25600xi32, #tpu.memory_space<vmem>>)
      tpu.yield
    }) : () -> ()
    %dma_start3A = arith.constant 0 : i32
    %dma_start3A_3 = arith.constant 0 : i32
    %dma_start3A_4 = arith.constant 0 : i32
    %dma_start3A_5 = tpu.memref_slice %arg6[%dma_start3A, %dma_start3A_3, %dma_start3A_4] : memref<5x128x128xf32, #tpu.memory_space<vmem>> -> memref<1x128x128xf32, #tpu.memory_space<vmem>>
    %dma_start3A_6 = tpu.memref_squeeze %dma_start3A_5 : memref<1x128x128xf32, #tpu.memory_space<vmem>> -> memref<128x128xf32, #tpu.memory_space<vmem>>
    %dma_start3A_7 = arith.constant 0 : i32
    %dma_start3A_8 = tpu.memref_slice %arg5[%dma_start3A_7] : memref<25600xi32, #tpu.memory_space<vmem>> -> memref<128xi32, #tpu.memory_space<vmem>>
    %dma_start3A_9 = arith.constant 0 : i32
    %dma_start3A_10 = arith.constant 0 : i32
    %dma_start3A_11 = tpu.memref_slice %arg3[%dma_start3A_9, %dma_start3A_10] : memref<100000x128xf32, #tpu.memory_space<hbm>> -> memref<100000x128xf32, #tpu.memory_space<hbm>>
    tpu.enqueue_indirect_dma source(%dma_start3A_11 : memref<100000x128xf32, #tpu.memory_space<hbm>>) target(%dma_start3A_6 : memref<128x128xf32, #tpu.memory_space<vmem>>) offsets(%dma_start3A_8 : memref<128xi32, #tpu.memory_space<vmem>>) semaphore(%arg7 : memref<!tpu.dma_semaphore, #tpu.memory_space<semaphore_mem>>)
    %dma_start3A_12 = arith.constant 1 : i32
    %dma_start3A_13 = arith.constant 0 : i32
    %dma_start3A_14 = arith.constant 0 : i32
    %dma_start3A_15 = tpu.memref_slice %arg6[%dma_start3A_12, %dma_start3A_13, %dma_start3A_14] : memref<5x128x128xf32, #tpu.memory_space<vmem>> -> memref<1x128x128xf32, #tpu.memory_space<vmem>>
    %dma_start3A_16 = tpu.memref_squeeze %dma_start3A_15 : memref<1x128x128xf32, #tpu.memory_space<vmem>> -> memref<128x128xf32, #tpu.memory_space<vmem>>
    %dma_start3A_17 = arith.constant 128 : i32
    %dma_start3A_18 = tpu.memref_slice %arg5[%dma_start3A_17] : memref<25600xi32, #tpu.memory_space<vmem>> -> memref<128xi32, #tpu.memory_space<vmem>>
    %dma_start3A_19 = arith.constant 0 : i32
    %dma_start3A_20 = arith.constant 0 : i32
    %dma_start3A_21 = tpu.memref_slice %arg3[%dma_start3A_19, %dma_start3A_20] : memref<100000x128xf32, #tpu.memory_space<hbm>> -> memref<100000x128xf32, #tpu.memory_space<hbm>>
    tpu.enqueue_indirect_dma source(%dma_start3A_21 : memref<100000x128xf32, #tpu.memory_space<hbm>>) target(%dma_start3A_16 : memref<128x128xf32, #tpu.memory_space<vmem>>) offsets(%dma_start3A_18 : memref<128xi32, #tpu.memory_space<vmem>>) semaphore(%arg8 : memref<!tpu.dma_semaphore, #tpu.memory_space<semaphore_mem>>)
    %dma_start3A_22 = arith.constant 2 : i32
    %dma_start3A_23 = arith.constant 0 : i32
    %dma_start3A_24 = arith.constant 0 : i32
    %dma_start3A_25 = tpu.memref_slice %arg6[%dma_start3A_22, %dma_start3A_23, %dma_start3A_24] : memref<5x128x128xf32, #tpu.memory_space<vmem>> -> memref<1x128x128xf32, #tpu.memory_space<vmem>>
    %dma_start3A_26 = tpu.memref_squeeze %dma_start3A_25 : memref<1x128x128xf32, #tpu.memory_space<vmem>> -> memref<128x128xf32, #tpu.memory_space<vmem>>
    %dma_start3A_27 = arith.constant 256 : i32
    %dma_start3A_28 = tpu.memref_slice %arg5[%dma_start3A_27] : memref<25600xi32, #tpu.memory_space<vmem>> -> memref<128xi32, #tpu.memory_space<vmem>>
    %dma_start3A_29 = arith.constant 0 : i32
    %dma_start3A_30 = arith.constant 0 : i32
    %dma_start3A_31 = tpu.memref_slice %arg3[%dma_start3A_29, %dma_start3A_30] : memref<100000x128xf32, #tpu.memory_space<hbm>> -> memref<100000x128xf32, #tpu.memory_space<hbm>>
    tpu.enqueue_indirect_dma source(%dma_start3A_31 : memref<100000x128xf32, #tpu.memory_space<hbm>>) target(%dma_start3A_26 : memref<128x128xf32, #tpu.memory_space<vmem>>) offsets(%dma_start3A_28 : memref<128xi32, #tpu.memory_space<vmem>>) semaphore(%arg9 : memref<!tpu.dma_semaphore, #tpu.memory_space<semaphore_mem>>)
    %dma_start3A_32 = arith.constant 3 : i32
    %dma_start3A_33 = arith.constant 0 : i32
    %dma_start3A_34 = arith.constant 0 : i32
    %dma_start3A_35 = tpu.memref_slice %arg6[%dma_start3A_32, %dma_start3A_33, %dma_start3A_34] : memref<5x128x128xf32, #tpu.memory_space<vmem>> -> memref<1x128x128xf32, #tpu.memory_space<vmem>>
    %dma_start3A_36 = tpu.memref_squeeze %dma_start3A_35 : memref<1x128x128xf32, #tpu.memory_space<vmem>> -> memref<128x128xf32, #tpu.memory_space<vmem>>
    %dma_start3A_37 = arith.constant 384 : i32
    %dma_start3A_38 = tpu.memref_slice %arg5[%dma_start3A_37] : memref<25600xi32, #tpu.memory_space<vmem>> -> memref<128xi32, #tpu.memory_space<vmem>>
    %dma_start3A_39 = arith.constant 0 : i32
    %dma_start3A_40 = arith.constant 0 : i32
    %dma_start3A_41 = tpu.memref_slice %arg3[%dma_start3A_39, %dma_start3A_40] : memref<100000x128xf32, #tpu.memory_space<hbm>> -> memref<100000x128xf32, #tpu.memory_space<hbm>>
    tpu.enqueue_indirect_dma source(%dma_start3A_41 : memref<100000x128xf32, #tpu.memory_space<hbm>>) target(%dma_start3A_36 : memref<128x128xf32, #tpu.memory_space<vmem>>) offsets(%dma_start3A_38 : memref<128xi32, #tpu.memory_space<vmem>>) semaphore(%arg10 : memref<!tpu.dma_semaphore, #tpu.memory_space<semaphore_mem>>)
    %dma_start3A_42 = arith.constant 4 : i32
    %dma_start3A_43 = arith.constant 0 : i32
    %dma_start3A_44 = arith.constant 0 : i32
    %dma_start3A_45 = tpu.memref_slice %arg6[%dma_start3A_42, %dma_start3A_43, %dma_start3A_44] : memref<5x128x128xf32, #tpu.memory_space<vmem>> -> memref<1x128x128xf32, #tpu.memory_space<vmem>>
    %dma_start3A_46 = tpu.memref_squeeze %dma_start3A_45 : memref<1x128x128xf32, #tpu.memory_space<vmem>> -> memref<128x128xf32, #tpu.memory_space<vmem>>
    %dma_start3A_47 = arith.constant 512 : i32
    %dma_start3A_48 = tpu.memref_slice %arg5[%dma_start3A_47] : memref<25600xi32, #tpu.memory_space<vmem>> -> memref<128xi32, #tpu.memory_space<vmem>>
    %dma_start3A_49 = arith.constant 0 : i32
    %dma_start3A_50 = arith.constant 0 : i32
    %dma_start3A_51 = tpu.memref_slice %arg3[%dma_start3A_49, %dma_start3A_50] : memref<100000x128xf32, #tpu.memory_space<hbm>> -> memref<100000x128xf32, #tpu.memory_space<hbm>>
    tpu.enqueue_indirect_dma source(%dma_start3A_51 : memref<100000x128xf32, #tpu.memory_space<hbm>>) target(%dma_start3A_46 : memref<128x128xf32, #tpu.memory_space<vmem>>) offsets(%dma_start3A_48 : memref<128xi32, #tpu.memory_space<vmem>>) semaphore(%arg11 : memref<!tpu.dma_semaphore, #tpu.memory_space<semaphore_mem>>)
    %dma_wait3A = arith.constant 0 : i32
    %dma_wait3A_52 = arith.constant 0 : i32
    %dma_wait3A_53 = arith.constant 0 : i32
    %dma_wait3A_54 = tpu.memref_slice %arg6[%dma_wait3A, %dma_wait3A_52, %dma_wait3A_53] : memref<5x128x128xf32, #tpu.memory_space<vmem>> -> memref<1x128x128xf32, #tpu.memory_space<vmem>>
    %dma_wait3A_55 = tpu.memref_squeeze %dma_wait3A_54 : memref<1x128x128xf32, #tpu.memory_space<vmem>> -> memref<128x128xf32, #tpu.memory_space<vmem>>
    %dma_wait3A_56 = arith.constant 0 : i32
    %dma_wait3A_57 = arith.constant 0 : i32
    %dma_wait3A_58 = tpu.memref_slice %arg3[%dma_wait3A_56, %dma_wait3A_57] : memref<100000x128xf32, #tpu.memory_space<hbm>> -> memref<128x128xf32, #tpu.memory_space<hbm>>
    %dma_wait3A_59 = arith.constant 0 : i32
    %dma_wait3A_60 = arith.constant 0 : i32
    %dma_wait3A_61 = tpu.memref_slice %arg6[%dma_wait3A, %dma_wait3A_59, %dma_wait3A_60] : memref<5x128x128xf32, #tpu.memory_space<vmem>> -> memref<1x128x128xf32, #tpu.memory_space<vmem>>
    %dma_wait3A_62 = tpu.memref_squeeze %dma_wait3A_61 : memref<1x128x128xf32, #tpu.memory_space<vmem>> -> memref<128x128xf32, #tpu.memory_space<vmem>>
    %dma_wait3A_63 = arith.constant 0 : i32
    %dma_wait3A_64 = arith.constant 0 : i32
    %dma_wait3A_65 = tpu.memref_slice %arg3[%dma_wait3A_63, %dma_wait3A_64] : memref<100000x128xf32, #tpu.memory_space<hbm>> -> memref<128x128xf32, #tpu.memory_space<hbm>>
    tpu.wait_dma2 semaphore(%arg7 : memref<!tpu.dma_semaphore, #tpu.memory_space<semaphore_mem>>) src(%dma_wait3A_65 : memref<128x128xf32, #tpu.memory_space<hbm>>) dst(%dma_wait3A_62 : memref<128x128xf32, #tpu.memory_space<vmem>>)
    %add3A_66 = arith.constant 0 : i32
    %add3A_67 = arith.addi %mul3A_2, %add3A_66 : i32
    %dma_start3A_68 = arith.constant 0 : i32
    %dma_start3A_69 = arith.constant 0 : i32
    %dma_start3A_70 = arith.constant 0 : i32
    %dma_start3A_71 = tpu.memref_slice %arg6[%dma_start3A_68, %dma_start3A_69, %dma_start3A_70] : memref<5x128x128xf32, #tpu.memory_space<vmem>> -> memref<1x128x128xf32, #tpu.memory_space<vmem>>
    %dma_start3A_72 = tpu.memref_squeeze %dma_start3A_71 : memref<1x128x128xf32, #tpu.memory_space<vmem>> -> memref<128x128xf32, #tpu.memory_space<vmem>>
    %dma_start3A_73 = arith.constant 0 : i32
    %dma_start3A_74 = tpu.memref_slice %arg4[%add3A_67, %dma_start3A_73] : memref<819200x128xf32, #tpu.memory_space<hbm>> -> memref<128x128xf32, #tpu.memory_space<hbm>>
    %dma_start3A_75 = arith.constant 0 : i32
    %dma_start3A_76 = tpu.memref_slice %arg4[%add3A_67, %dma_start3A_75] : memref<819200x128xf32, #tpu.memory_space<hbm>> -> memref<128x128xf32, #tpu.memory_space<hbm>>
    %dma_start3A_77 = arith.constant 0 : i32
    %dma_start3A_78 = arith.constant 0 : i32
    %dma_start3A_79 = tpu.memref_slice %arg6[%dma_start3A_68, %dma_start3A_77, %dma_start3A_78] : memref<5x128x128xf32, #tpu.memory_space<vmem>> -> memref<1x128x128xf32, #tpu.memory_space<vmem>>
    %dma_start3A_80 = tpu.memref_squeeze %dma_start3A_79 : memref<1x128x128xf32, #tpu.memory_space<vmem>> -> memref<128x128xf32, #tpu.memory_space<vmem>>
    tpu.enqueue_dma source(%dma_start3A_80 : memref<128x128xf32, #tpu.memory_space<vmem>>) target(%dma_start3A_76 : memref<128x128xf32, #tpu.memory_space<hbm>>) target_semaphore(%arg12 : memref<!tpu.dma_semaphore, #tpu.memory_space<semaphore_mem>>)
    %dma_wait3A_81 = arith.constant 1 : i32
    %dma_wait3A_82 = arith.constant 0 : i32
    %dma_wait3A_83 = arith.constant 0 : i32
    %dma_wait3A_84 = tpu.memref_slice %arg6[%dma_wait3A_81, %dma_wait3A_82, %dma_wait3A_83] : memref<5x128x128xf32, #tpu.memory_space<vmem>> -> memref<1x128x128xf32, #tpu.memory_space<vmem>>
    %dma_wait3A_85 = tpu.memref_squeeze %dma_wait3A_84 : memref<1x128x128xf32, #tpu.memory_space<vmem>> -> memref<128x128xf32, #tpu.memory_space<vmem>>
    %dma_wait3A_86 = arith.constant 0 : i32
    %dma_wait3A_87 = arith.constant 0 : i32
    %dma_wait3A_88 = tpu.memref_slice %arg3[%dma_wait3A_86, %dma_wait3A_87] : memref<100000x128xf32, #tpu.memory_space<hbm>> -> memref<128x128xf32, #tpu.memory_space<hbm>>
    %dma_wait3A_89 = arith.constant 0 : i32
    %dma_wait3A_90 = arith.constant 0 : i32
    %dma_wait3A_91 = tpu.memref_slice %arg6[%dma_wait3A_81, %dma_wait3A_89, %dma_wait3A_90] : memref<5x128x128xf32, #tpu.memory_space<vmem>> -> memref<1x128x128xf32, #tpu.memory_space<vmem>>
    %dma_wait3A_92 = tpu.memref_squeeze %dma_wait3A_91 : memref<1x128x128xf32, #tpu.memory_space<vmem>> -> memref<128x128xf32, #tpu.memory_space<vmem>>
    %dma_wait3A_93 = arith.constant 0 : i32
    %dma_wait3A_94 = arith.constant 0 : i32
    %dma_wait3A_95 = tpu.memref_slice %arg3[%dma_wait3A_93, %dma_wait3A_94] : memref<100000x128xf32, #tpu.memory_space<hbm>> -> memref<128x128xf32, #tpu.memory_space<hbm>>
    tpu.wait_dma2 semaphore(%arg8 : memref<!tpu.dma_semaphore, #tpu.memory_space<semaphore_mem>>) src(%dma_wait3A_95 : memref<128x128xf32, #tpu.memory_space<hbm>>) dst(%dma_wait3A_92 : memref<128x128xf32, #tpu.memory_space<vmem>>)
    %add3A_96 = arith.constant 128 : i32
    %add3A_97 = arith.addi %mul3A_2, %add3A_96 : i32
    %dma_start3A_98 = arith.constant 1 : i32
    %dma_start3A_99 = arith.constant 0 : i32
    %dma_start3A_100 = arith.constant 0 : i32
    %dma_start3A_101 = tpu.memref_slice %arg6[%dma_start3A_98, %dma_start3A_99, %dma_start3A_100] : memref<5x128x128xf32, #tpu.memory_space<vmem>> -> memref<1x128x128xf32, #tpu.memory_space<vmem>>
    %dma_start3A_102 = tpu.memref_squeeze %dma_start3A_101 : memref<1x128x128xf32, #tpu.memory_space<vmem>> -> memref<128x128xf32, #tpu.memory_space<vmem>>
    %dma_start3A_103 = arith.constant 0 : i32
    %dma_start3A_104 = tpu.memref_slice %arg4[%add3A_97, %dma_start3A_103] : memref<819200x128xf32, #tpu.memory_space<hbm>> -> memref<128x128xf32, #tpu.memory_space<hbm>>
    %dma_start3A_105 = arith.constant 0 : i32
    %dma_start3A_106 = tpu.memref_slice %arg4[%add3A_97, %dma_start3A_105] : memref<819200x128xf32, #tpu.memory_space<hbm>> -> memref<128x128xf32, #tpu.memory_space<hbm>>
    %dma_start3A_107 = arith.constant 0 : i32
    %dma_start3A_108 = arith.constant 0 : i32
    %dma_start3A_109 = tpu.memref_slice %arg6[%dma_start3A_98, %dma_start3A_107, %dma_start3A_108] : memref<5x128x128xf32, #tpu.memory_space<vmem>> -> memref<1x128x128xf32, #tpu.memory_space<vmem>>
    %dma_start3A_110 = tpu.memref_squeeze %dma_start3A_109 : memref<1x128x128xf32, #tpu.memory_space<vmem>> -> memref<128x128xf32, #tpu.memory_space<vmem>>
    tpu.enqueue_dma source(%dma_start3A_110 : memref<128x128xf32, #tpu.memory_space<vmem>>) target(%dma_start3A_106 : memref<128x128xf32, #tpu.memory_space<hbm>>) target_semaphore(%arg13 : memref<!tpu.dma_semaphore, #tpu.memory_space<semaphore_mem>>)
    %dma_wait3A_111 = arith.constant 0 : i32
    %dma_wait3A_112 = arith.constant 0 : i32
    %dma_wait3A_113 = arith.constant 0 : i32
    %dma_wait3A_114 = tpu.memref_slice %arg6[%dma_wait3A_111, %dma_wait3A_112, %dma_wait3A_113] : memref<5x128x128xf32, #tpu.memory_space<vmem>> -> memref<1x128x128xf32, #tpu.memory_space<vmem>>
    %dma_wait3A_115 = tpu.memref_squeeze %dma_wait3A_114 : memref<1x128x128xf32, #tpu.memory_space<vmem>> -> memref<128x128xf32, #tpu.memory_space<vmem>>
    %dma_wait3A_116 = arith.constant 0 : i32
    %dma_wait3A_117 = arith.constant 0 : i32
    %dma_wait3A_118 = tpu.memref_slice %arg4[%dma_wait3A_116, %dma_wait3A_117] : memref<819200x128xf32, #tpu.memory_space<hbm>> -> memref<128x128xf32, #tpu.memory_space<hbm>>
    %dma_wait3A_119 = arith.constant 0 : i32
    %dma_wait3A_120 = arith.constant 0 : i32
    %dma_wait3A_121 = tpu.memref_slice %arg4[%dma_wait3A_119, %dma_wait3A_120] : memref<819200x128xf32, #tpu.memory_space<hbm>> -> memref<128x128xf32, #tpu.memory_space<hbm>>
    %dma_wait3A_122 = arith.constant 0 : i32
    %dma_wait3A_123 = arith.constant 0 : i32
    %dma_wait3A_124 = tpu.memref_slice %arg6[%dma_wait3A_111, %dma_wait3A_122, %dma_wait3A_123] : memref<5x128x128xf32, #tpu.memory_space<vmem>> -> memref<1x128x128xf32, #tpu.memory_space<vmem>>
    %dma_wait3A_125 = tpu.memref_squeeze %dma_wait3A_124 : memref<1x128x128xf32, #tpu.memory_space<vmem>> -> memref<128x128xf32, #tpu.memory_space<vmem>>
    tpu.wait_dma2 semaphore(%arg12 : memref<!tpu.dma_semaphore, #tpu.memory_space<semaphore_mem>>) src(%dma_wait3A_125 : memref<128x128xf32, #tpu.memory_space<vmem>>) dst(%dma_wait3A_121 : memref<128x128xf32, #tpu.memory_space<hbm>>)
    %dma_start3A_126 = arith.constant 0 : i32
    %dma_start3A_127 = arith.constant 0 : i32
    %dma_start3A_128 = arith.constant 0 : i32
    %dma_start3A_129 = tpu.memref_slice %arg6[%dma_start3A_126, %dma_start3A_127, %dma_start3A_128] : memref<5x128x128xf32, #tpu.memory_space<vmem>> -> memref<1x128x128xf32, #tpu.memory_space<vmem>>
    %dma_start3A_130 = tpu.memref_squeeze %dma_start3A_129 : memref<1x128x128xf32, #tpu.memory_space<vmem>> -> memref<128x128xf32, #tpu.memory_space<vmem>>
    %dma_start3A_131 = arith.constant 640 : i32
    %dma_start3A_132 = tpu.memref_slice %arg5[%dma_start3A_131] : memref<25600xi32, #tpu.memory_space<vmem>> -> memref<128xi32, #tpu.memory_space<vmem>>
    %dma_start3A_133 = arith.constant 0 : i32
    %dma_start3A_134 = arith.constant 0 : i32
    %dma_start3A_135 = tpu.memref_slice %arg3[%dma_start3A_133, %dma_start3A_134] : memref<100000x128xf32, #tpu.memory_space<hbm>> -> memref<100000x128xf32, #tpu.memory_space<hbm>>
    tpu.enqueue_indirect_dma source(%dma_start3A_135 : memref<100000x128xf32, #tpu.memory_space<hbm>>) target(%dma_start3A_130 : memref<128x128xf32, #tpu.memory_space<vmem>>) offsets(%dma_start3A_132 : memref<128xi32, #tpu.memory_space<vmem>>) semaphore(%arg7 : memref<!tpu.dma_semaphore, #tpu.memory_space<semaphore_mem>>)
    %dma_wait3A_136 = arith.constant 2 : i32
    %dma_wait3A_137 = arith.constant 0 : i32
    %dma_wait3A_138 = arith.constant 0 : i32
    %dma_wait3A_139 = tpu.memref_slice %arg6[%dma_wait3A_136, %dma_wait3A_137, %dma_wait3A_138] : memref<5x128x128xf32, #tpu.memory_space<vmem>> -> memref<1x128x128xf32, #tpu.memory_space<vmem>>
    %dma_wait3A_140 = tpu.memref_squeeze %dma_wait3A_139 : memref<1x128x128xf32, #tpu.memory_space<vmem>> -> memref<128x128xf32, #tpu.memory_space<vmem>>
    %dma_wait3A_141 = arith.constant 0 : i32
    %dma_wait3A_142 = arith.constant 0 : i32
    %dma_wait3A_143 = tpu.memref_slice %arg3[%dma_wait3A_141, %dma_wait3A_142] : memref<100000x128xf32, #tpu.memory_space<hbm>> -> memref<128x128xf32, #tpu.memory_space<hbm>>
    %dma_wait3A_144 = arith.constant 0 : i32
    %dma_wait3A_145 = arith.constant 0 : i32
    %dma_wait3A_146 = tpu.memref_slice %arg6[%dma_wait3A_136, %dma_wait3A_144, %dma_wait3A_145] : memref<5x128x128xf32, #tpu.memory_space<vmem>> -> memref<1x128x128xf32, #tpu.memory_space<vmem>>
    %dma_wait3A_147 = tpu.memref_squeeze %dma_wait3A_146 : memref<1x128x128xf32, #tpu.memory_space<vmem>> -> memref<128x128xf32, #tpu.memory_space<vmem>>
    %dma_wait3A_148 = arith.constant 0 : i32
    %dma_wait3A_149 = arith.constant 0 : i32
    %dma_wait3A_150 = tpu.memref_slice %arg3[%dma_wait3A_148, %dma_wait3A_149] : memref<100000x128xf32, #tpu.memory_space<hbm>> -> memref<128x128xf32, #tpu.memory_space<hbm>>
    tpu.wait_dma2 semaphore(%arg9 : memref<!tpu.dma_semaphore, #tpu.memory_space<semaphore_mem>>) src(%dma_wait3A_150 : memref<128x128xf32, #tpu.memory_space<hbm>>) dst(%dma_wait3A_147 : memref<128x128xf32, #tpu.memory_space<vmem>>)
    %add3A_151 = arith.constant 256 : i32
    %add3A_152 = arith.addi %mul3A_2, %add3A_151 : i32
    %dma_start3A_153 = arith.constant 2 : i32
    %dma_start3A_154 = arith.constant 0 : i32
    %dma_start3A_155 = arith.constant 0 : i32
    %dma_start3A_156 = tpu.memref_slice %arg6[%dma_start3A_153, %dma_start3A_154, %dma_start3A_155] : memref<5x128x128xf32, #tpu.memory_space<vmem>> -> memref<1x128x128xf32, #tpu.memory_space<vmem>>
    %dma_start3A_157 = tpu.memref_squeeze %dma_start3A_156 : memref<1x128x128xf32, #tpu.memory_space<vmem>> -> memref<128x128xf32, #tpu.memory_space<vmem>>
    %dma_start3A_158 = arith.constant 0 : i32
    %dma_start3A_159 = tpu.memref_slice %arg4[%add3A_152, %dma_start3A_158] : memref<819200x128xf32, #tpu.memory_space<hbm>> -> memref<128x128xf32, #tpu.memory_space<hbm>>
    %dma_start3A_160 = arith.constant 0 : i32
    %dma_start3A_161 = tpu.memref_slice %arg4[%add3A_152, %dma_start3A_160] : memref<819200x128xf32, #tpu.memory_space<hbm>> -> memref<128x128xf32, #tpu.memory_space<hbm>>
    %dma_start3A_162 = arith.constant 0 : i32
    %dma_start3A_163 = arith.constant 0 : i32
    %dma_start3A_164 = tpu.memref_slice %arg6[%dma_start3A_153, %dma_start3A_162, %dma_start3A_163] : memref<5x128x128xf32, #tpu.memory_space<vmem>> -> memref<1x128x128xf32, #tpu.memory_space<vmem>>
    %dma_start3A_165 = tpu.memref_squeeze %dma_start3A_164 : memref<1x128x128xf32, #tpu.memory_space<vmem>> -> memref<128x128xf32, #tpu.memory_space<vmem>>
    tpu.enqueue_dma source(%dma_start3A_165 : memref<128x128xf32, #tpu.memory_space<vmem>>) target(%dma_start3A_161 : memref<128x128xf32, #tpu.memory_space<hbm>>) target_semaphore(%arg14 : memref<!tpu.dma_semaphore, #tpu.memory_space<semaphore_mem>>)
    %dma_wait3A_166 = arith.constant 1 : i32
    %dma_wait3A_167 = arith.constant 0 : i32
    %dma_wait3A_168 = arith.constant 0 : i32
    %dma_wait3A_169 = tpu.memref_slice %arg6[%dma_wait3A_166, %dma_wait3A_167, %dma_wait3A_168] : memref<5x128x128xf32, #tpu.memory_space<vmem>> -> memref<1x128x128xf32, #tpu.memory_space<vmem>>
    %dma_wait3A_170 = tpu.memref_squeeze %dma_wait3A_169 : memref<1x128x128xf32, #tpu.memory_space<vmem>> -> memref<128x128xf32, #tpu.memory_space<vmem>>
    %dma_wait3A_171 = arith.constant 0 : i32
    %dma_wait3A_172 = arith.constant 0 : i32
    %dma_wait3A_173 = tpu.memref_slice %arg4[%dma_wait3A_171, %dma_wait3A_172] : memref<819200x128xf32, #tpu.memory_space<hbm>> -> memref<128x128xf32, #tpu.memory_space<hbm>>
    %dma_wait3A_174 = arith.constant 0 : i32
    %dma_wait3A_175 = arith.constant 0 : i32
    %dma_wait3A_176 = tpu.memref_slice %arg4[%dma_wait3A_174, %dma_wait3A_175] : memref<819200x128xf32, #tpu.memory_space<hbm>> -> memref<128x128xf32, #tpu.memory_space<hbm>>
    %dma_wait3A_177 = arith.constant 0 : i32
    %dma_wait3A_178 = arith.constant 0 : i32
    %dma_wait3A_179 = tpu.memref_slice %arg6[%dma_wait3A_166, %dma_wait3A_177, %dma_wait3A_178] : memref<5x128x128xf32, #tpu.memory_space<vmem>> -> memref<1x128x128xf32, #tpu.memory_space<vmem>>
    %dma_wait3A_180 = tpu.memref_squeeze %dma_wait3A_179 : memref<1x128x128xf32, #tpu.memory_space<vmem>> -> memref<128x128xf32, #tpu.memory_space<vmem>>
    tpu.wait_dma2 semaphore(%arg13 : memref<!tpu.dma_semaphore, #tpu.memory_space<semaphore_mem>>) src(%dma_wait3A_180 : memref<128x128xf32, #tpu.memory_space<vmem>>) dst(%dma_wait3A_176 : memref<128x128xf32, #tpu.memory_space<hbm>>)
    %dma_start3A_181 = arith.constant 1 : i32
    %dma_start3A_182 = arith.constant 0 : i32
    %dma_start3A_183 = arith.constant 0 : i32
    %dma_start3A_184 = tpu.memref_slice %arg6[%dma_start3A_181, %dma_start3A_182, %dma_start3A_183] : memref<5x128x128xf32, #tpu.memory_space<vmem>> -> memref<1x128x128xf32, #tpu.memory_space<vmem>>
    %dma_start3A_185 = tpu.memref_squeeze %dma_start3A_184 : memref<1x128x128xf32, #tpu.memory_space<vmem>> -> memref<128x128xf32, #tpu.memory_space<vmem>>
    %dma_start3A_186 = arith.constant 768 : i32
    %dma_start3A_187 = tpu.memref_slice %arg5[%dma_start3A_186] : memref<25600xi32, #tpu.memory_space<vmem>> -> memref<128xi32, #tpu.memory_space<vmem>>
    %dma_start3A_188 = arith.constant 0 : i32
    %dma_start3A_189 = arith.constant 0 : i32
    %dma_start3A_190 = tpu.memref_slice %arg3[%dma_start3A_188, %dma_start3A_189] : memref<100000x128xf32, #tpu.memory_space<hbm>> -> memref<100000x128xf32, #tpu.memory_space<hbm>>
    tpu.enqueue_indirect_dma source(%dma_start3A_190 : memref<100000x128xf32, #tpu.memory_space<hbm>>) target(%dma_start3A_185 : memref<128x128xf32, #tpu.memory_space<vmem>>) offsets(%dma_start3A_187 : memref<128xi32, #tpu.memory_space<vmem>>) semaphore(%arg8 : memref<!tpu.dma_semaphore, #tpu.memory_space<semaphore_mem>>)
    %dma_wait3A_191 = arith.constant 3 : i32
    %dma_wait3A_192 = arith.constant 0 : i32
    %dma_wait3A_193 = arith.constant 0 : i32
    %dma_wait3A_194 = tpu.memref_slice %arg6[%dma_wait3A_191, %dma_wait3A_192, %dma_wait3A_193] : memref<5x128x128xf32, #tpu.memory_space<vmem>> -> memref<1x128x128xf32, #tpu.memory_space<vmem>>
    %dma_wait3A_195 = tpu.memref_squeeze %dma_wait3A_194 : memref<1x128x128xf32, #tpu.memory_space<vmem>> -> memref<128x128xf32, #tpu.memory_space<vmem>>
    %dma_wait3A_196 = arith.constant 0 : i32
    %dma_wait3A_197 = arith.constant 0 : i32
    %dma_wait3A_198 = tpu.memref_slice %arg3[%dma_wait3A_196, %dma_wait3A_197] : memref<100000x128xf32, #tpu.memory_space<hbm>> -> memref<128x128xf32, #tpu.memory_space<hbm>>
    %dma_wait3A_199 = arith.constant 0 : i32
    %dma_wait3A_200 = arith.constant 0 : i32
    %dma_wait3A_201 = tpu.memref_slice %arg6[%dma_wait3A_191, %dma_wait3A_199, %dma_wait3A_200] : memref<5x128x128xf32, #tpu.memory_space<vmem>> -> memref<1x128x128xf32, #tpu.memory_space<vmem>>
    %dma_wait3A_202 = tpu.memref_squeeze %dma_wait3A_201 : memref<1x128x128xf32, #tpu.memory_space<vmem>> -> memref<128x128xf32, #tpu.memory_space<vmem>>
    %dma_wait3A_203 = arith.constant 0 : i32
    %dma_wait3A_204 = arith.constant 0 : i32
    %dma_wait3A_205 = tpu.memref_slice %arg3[%dma_wait3A_203, %dma_wait3A_204] : memref<100000x128xf32, #tpu.memory_space<hbm>> -> memref<128x128xf32, #tpu.memory_space<hbm>>
    tpu.wait_dma2 semaphore(%arg10 : memref<!tpu.dma_semaphore, #tpu.memory_space<semaphore_mem>>) src(%dma_wait3A_205 : memref<128x128xf32, #tpu.memory_space<hbm>>) dst(%dma_wait3A_202 : memref<128x128xf32, #tpu.memory_space<vmem>>)
    %add3A_206 = arith.constant 384 : i32
    %add3A_207 = arith.addi %mul3A_2, %add3A_206 : i32
    %dma_start3A_208 = arith.constant 3 : i32
    %dma_start3A_209 = arith.constant 0 : i32
    %dma_start3A_210 = arith.constant 0 : i32
    %dma_start3A_211 = tpu.memref_slice %arg6[%dma_start3A_208, %dma_start3A_209, %dma_start3A_210] : memref<5x128x128xf32, #tpu.memory_space<vmem>> -> memref<1x128x128xf32, #tpu.memory_space<vmem>>
    %dma_start3A_212 = tpu.memref_squeeze %dma_start3A_211 : memref<1x128x128xf32, #tpu.memory_space<vmem>> -> memref<128x128xf32, #tpu.memory_space<vmem>>
    %dma_start3A_213 = arith.constant 0 : i32
    %dma_start3A_214 = tpu.memref_slice %arg4[%add3A_207, %dma_start3A_213] : memref<819200x128xf32, #tpu.memory_space<hbm>> -> memref<128x128xf32, #tpu.memory_space<hbm>>
    %dma_start3A_215 = arith.constant 0 : i32
    %dma_start3A_216 = tpu.memref_slice %arg4[%add3A_207, %dma_start3A_215] : memref<819200x128xf32, #tpu.memory_space<hbm>> -> memref<128x128xf32, #tpu.memory_space<hbm>>
    %dma_start3A_217 = arith.constant 0 : i32
    %dma_start3A_218 = arith.constant 0 : i32
    %dma_start3A_219 = tpu.memref_slice %arg6[%dma_start3A_208, %dma_start3A_217, %dma_start3A_218] : memref<5x128x128xf32, #tpu.memory_space<vmem>> -> memref<1x128x128xf32, #tpu.memory_space<vmem>>
    %dma_start3A_220 = tpu.memref_squeeze %dma_start3A_219 : memref<1x128x128xf32, #tpu.memory_space<vmem>> -> memref<128x128xf32, #tpu.memory_space<vmem>>
    tpu.enqueue_dma source(%dma_start3A_220 : memref<128x128xf32, #tpu.memory_space<vmem>>) target(%dma_start3A_216 : memref<128x128xf32, #tpu.memory_space<hbm>>) target_semaphore(%arg15 : memref<!tpu.dma_semaphore, #tpu.memory_space<semaphore_mem>>)
    %dma_wait3A_221 = arith.constant 2 : i32
    %dma_wait3A_222 = arith.constant 0 : i32
    %dma_wait3A_223 = arith.constant 0 : i32
    %dma_wait3A_224 = tpu.memref_slice %arg6[%dma_wait3A_221, %dma_wait3A_222, %dma_wait3A_223] : memref<5x128x128xf32, #tpu.memory_space<vmem>> -> memref<1x128x128xf32, #tpu.memory_space<vmem>>
    %dma_wait3A_225 = tpu.memref_squeeze %dma_wait3A_224 : memref<1x128x128xf32, #tpu.memory_space<vmem>> -> memref<128x128xf32, #tpu.memory_space<vmem>>
    %dma_wait3A_226 = arith.constant 0 : i32
    %dma_wait3A_227 = arith.constant 0 : i32
    %dma_wait3A_228 = tpu.memref_slice %arg4[%dma_wait3A_226, %dma_wait3A_227] : memref<819200x128xf32, #tpu.memory_space<hbm>> -> memref<128x128xf32, #tpu.memory_space<hbm>>
    %dma_wait3A_229 = arith.constant 0 : i32
    %dma_wait3A_230 = arith.constant 0 : i32
    %dma_wait3A_231 = tpu.memref_slice %arg4[%dma_wait3A_229, %dma_wait3A_230] : memref<819200x128xf32, #tpu.memory_space<hbm>> -> memref<128x128xf32, #tpu.memory_space<hbm>>
    %dma_wait3A_232 = arith.constant 0 : i32
    %dma_wait3A_233 = arith.constant 0 : i32
    %dma_wait3A_234 = tpu.memref_slice %arg6[%dma_wait3A_221, %dma_wait3A_232, %dma_wait3A_233] : memref<5x128x128xf32, #tpu.memory_space<vmem>> -> memref<1x128x128xf32, #tpu.memory_space<vmem>>
    %dma_wait3A_235 = tpu.memref_squeeze %dma_wait3A_234 : memref<1x128x128xf32, #tpu.memory_space<vmem>> -> memref<128x128xf32, #tpu.memory_space<vmem>>
    tpu.wait_dma2 semaphore(%arg14 : memref<!tpu.dma_semaphore, #tpu.memory_space<semaphore_mem>>) src(%dma_wait3A_235 : memref<128x128xf32, #tpu.memory_space<vmem>>) dst(%dma_wait3A_231 : memref<128x128xf32, #tpu.memory_space<hbm>>)
    %dma_start3A_236 = arith.constant 2 : i32
    %dma_start3A_237 = arith.constant 0 : i32
    %dma_start3A_238 = arith.constant 0 : i32
    %dma_start3A_239 = tpu.memref_slice %arg6[%dma_start3A_236, %dma_start3A_237, %dma_start3A_238] : memref<5x128x128xf32, #tpu.memory_space<vmem>> -> memref<1x128x128xf32, #tpu.memory_space<vmem>>
    %dma_start3A_240 = tpu.memref_squeeze %dma_start3A_239 : memref<1x128x128xf32, #tpu.memory_space<vmem>> -> memref<128x128xf32, #tpu.memory_space<vmem>>
    %dma_start3A_241 = arith.constant 896 : i32
    %dma_start3A_242 = tpu.memref_slice %arg5[%dma_start3A_241] : memref<25600xi32, #tpu.memory_space<vmem>> -> memref<128xi32, #tpu.memory_space<vmem>>
    %dma_start3A_243 = arith.constant 0 : i32
    %dma_start3A_244 = arith.constant 0 : i32
    %dma_start3A_245 = tpu.memref_slice %arg3[%dma_start3A_243, %dma_start3A_244] : memref<100000x128xf32, #tpu.memory_space<hbm>> -> memref<100000x128xf32, #tpu.memory_space<hbm>>
    tpu.enqueue_indirect_dma source(%dma_start3A_245 : memref<100000x128xf32, #tpu.memory_space<hbm>>) target(%dma_start3A_240 : memref<128x128xf32, #tpu.memory_space<vmem>>) offsets(%dma_start3A_242 : memref<128xi32, #tpu.memory_space<vmem>>) semaphore(%arg9 : memref<!tpu.dma_semaphore, #tpu.memory_space<semaphore_mem>>)
    %dma_wait3A_246 = arith.constant 4 : i32
    %dma_wait3A_247 = arith.constant 0 : i32
    %dma_wait3A_248 = arith.constant 0 : i32
    %dma_wait3A_249 = tpu.memref_slice %arg6[%dma_wait3A_246, %dma_wait3A_247, %dma_wait3A_248] : memref<5x128x128xf32, #tpu.memory_space<vmem>> -> memref<1x128x128xf32, #tpu.memory_space<vmem>>
    %dma_wait3A_250 = tpu.memref_squeeze %dma_wait3A_249 : memref<1x128x128xf32, #tpu.memory_space<vmem>> -> memref<128x128xf32, #tpu.memory_space<vmem>>
    %dma_wait3A_251 = arith.constant 0 : i32
    %dma_wait3A_252 = arith.constant 0 : i32
    %dma_wait3A_253 = tpu.memref_slice %arg3[%dma_wait3A_251, %dma_wait3A_252] : memref<100000x128xf32, #tpu.memory_space<hbm>> -> memref<128x128xf32, #tpu.memory_space<hbm>>
    %dma_wait3A_254 = arith.constant 0 : i32
    %dma_wait3A_255 = arith.constant 0 : i32
    %dma_wait3A_256 = tpu.memref_slice %arg6[%dma_wait3A_246, %dma_wait3A_254, %dma_wait3A_255] : memref<5x128x128xf32, #tpu.memory_space<vmem>> -> memref<1x128x128xf32, #tpu.memory_space<vmem>>
    %dma_wait3A_257 = tpu.memref_squeeze %dma_wait3A_256 : memref<1x128x128xf32, #tpu.memory_space<vmem>> -> memref<128x128xf32, #tpu.memory_space<vmem>>
    %dma_wait3A_258 = arith.constant 0 : i32
    %dma_wait3A_259 = arith.constant 0 : i32
    %dma_wait3A_260 = tpu.memref_slice %arg3[%dma_wait3A_258, %dma_wait3A_259] : memref<100000x128xf32, #tpu.memory_space<hbm>> -> memref<128x128xf32, #tpu.memory_space<hbm>>
    tpu.wait_dma2 semaphore(%arg11 : memref<!tpu.dma_semaphore, #tpu.memory_space<semaphore_mem>>) src(%dma_wait3A_260 : memref<128x128xf32, #tpu.memory_space<hbm>>) dst(%dma_wait3A_257 : memref<128x128xf32, #tpu.memory_space<vmem>>)
    %add3A_261 = arith.constant 512 : i32
    %add3A_262 = arith.addi %mul3A_2, %add3A_261 : i32
    %dma_start3A_263 = arith.constant 4 : i32
    %dma_start3A_264 = arith.constant 0 : i32
    %dma_start3A_265 = arith.constant 0 : i32
    %dma_start3A_266 = tpu.memref_slice %arg6[%dma_start3A_263, %dma_start3A_264, %dma_start3A_265] : memref<5x128x128xf32, #tpu.memory_space<vmem>> -> memref<1x128x128xf32, #tpu.memory_space<vmem>>
    %dma_start3A_267 = tpu.memref_squeeze %dma_start3A_266 : memref<1x128x128xf32, #tpu.memory_space<vmem>> -> memref<128x128xf32, #tpu.memory_space<vmem>>
    %dma_start3A_268 = arith.constant 0 : i32
    %dma_start3A_269 = tpu.memref_slice %arg4[%add3A_262, %dma_start3A_268] : memref<819200x128xf32, #tpu.memory_space<hbm>> -> memref<128x128xf32, #tpu.memory_space<hbm>>
    %dma_start3A_270 = arith.constant 0 : i32
    %dma_start3A_271 = tpu.memref_slice %arg4[%add3A_262, %dma_start3A_270] : memref<819200x128xf32, #tpu.memory_space<hbm>> -> memref<128x128xf32, #tpu.memory_space<hbm>>
    %dma_start3A_272 = arith.constant 0 : i32
    %dma_start3A_273 = arith.constant 0 : i32
    %dma_start3A_274 = tpu.memref_slice %arg6[%dma_start3A_263, %dma_start3A_272, %dma_start3A_273] : memref<5x128x128xf32, #tpu.memory_space<vmem>> -> memref<1x128x128xf32, #tpu.memory_space<vmem>>
    %dma_start3A_275 = tpu.memref_squeeze %dma_start3A_274 : memref<1x128x128xf32, #tpu.memory_space<vmem>> -> memref<128x128xf32, #tpu.memory_space<vmem>>
    tpu.enqueue_dma source(%dma_start3A_275 : memref<128x128xf32, #tpu.memory_space<vmem>>) target(%dma_start3A_271 : memref<128x128xf32, #tpu.memory_space<hbm>>) target_semaphore(%arg16 : memref<!tpu.dma_semaphore, #tpu.memory_space<semaphore_mem>>)
    %dma_wait3A_276 = arith.constant 3 : i32
    %dma_wait3A_277 = arith.constant 0 : i32
    %dma_wait3A_278 = arith.constant 0 : i32
    %dma_wait3A_279 = tpu.memref_slice %arg6[%dma_wait3A_276, %dma_wait3A_277, %dma_wait3A_278] : memref<5x128x128xf32, #tpu.memory_space<vmem>> -> memref<1x128x128xf32, #tpu.memory_space<vmem>>
    %dma_wait3A_280 = tpu.memref_squeeze %dma_wait3A_279 : memref<1x128x128xf32, #tpu.memory_space<vmem>> -> memref<128x128xf32, #tpu.memory_space<vmem>>
    %dma_wait3A_281 = arith.constant 0 : i32
    %dma_wait3A_282 = arith.constant 0 : i32
    %dma_wait3A_283 = tpu.memref_slice %arg4[%dma_wait3A_281, %dma_wait3A_282] : memref<819200x128xf32, #tpu.memory_space<hbm>> -> memref<128x128xf32, #tpu.memory_space<hbm>>
    %dma_wait3A_284 = arith.constant 0 : i32
    %dma_wait3A_285 = arith.constant 0 : i32
    %dma_wait3A_286 = tpu.memref_slice %arg4[%dma_wait3A_284, %dma_wait3A_285] : memref<819200x128xf32, #tpu.memory_space<hbm>> -> memref<128x128xf32, #tpu.memory_space<hbm>>
    %dma_wait3A_287 = arith.constant 0 : i32
    %dma_wait3A_288 = arith.constant 0 : i32
    %dma_wait3A_289 = tpu.memref_slice %arg6[%dma_wait3A_276, %dma_wait3A_287, %dma_wait3A_288] : memref<5x128x128xf32, #tpu.memory_space<vmem>> -> memref<1x128x128xf32, #tpu.memory_space<vmem>>
    %dma_wait3A_290 = tpu.memref_squeeze %dma_wait3A_289 : memref<1x128x128xf32, #tpu.memory_space<vmem>> -> memref<128x128xf32, #tpu.memory_space<vmem>>
    tpu.wait_dma2 semaphore(%arg15 : memref<!tpu.dma_semaphore, #tpu.memory_space<semaphore_mem>>) src(%dma_wait3A_290 : memref<128x128xf32, #tpu.memory_space<vmem>>) dst(%dma_wait3A_286 : memref<128x128xf32, #tpu.memory_space<hbm>>)
    %dma_start3A_291 = arith.constant 3 : i32
    %dma_start3A_292 = arith.constant 0 : i32
    %dma_start3A_293 = arith.constant 0 : i32
    %dma_start3A_294 = tpu.memref_slice %arg6[%dma_start3A_291, %dma_start3A_292, %dma_start3A_293] : memref<5x128x128xf32, #tpu.memory_space<vmem>> -> memref<1x128x128xf32, #tpu.memory_space<vmem>>
    %dma_start3A_295 = tpu.memref_squeeze %dma_start3A_294 : memref<1x128x128xf32, #tpu.memory_space<vmem>> -> memref<128x128xf32, #tpu.memory_space<vmem>>
    %dma_start3A_296 = arith.constant 1024 : i32
    %dma_start3A_297 = tpu.memref_slice %arg5[%dma_start3A_296] : memref<25600xi32, #tpu.memory_space<vmem>> -> memref<128xi32, #tpu.memory_space<vmem>>
    %dma_start3A_298 = arith.constant 0 : i32
    %dma_start3A_299 = arith.constant 0 : i32
    %dma_start3A_300 = tpu.memref_slice %arg3[%dma_start3A_298, %dma_start3A_299] : memref<100000x128xf32, #tpu.memory_space<hbm>> -> memref<100000x128xf32, #tpu.memory_space<hbm>>
    tpu.enqueue_indirect_dma source(%dma_start3A_300 : memref<100000x128xf32, #tpu.memory_space<hbm>>) target(%dma_start3A_295 : memref<128x128xf32, #tpu.memory_space<vmem>>) offsets(%dma_start3A_297 : memref<128xi32, #tpu.memory_space<vmem>>) semaphore(%arg10 : memref<!tpu.dma_semaphore, #tpu.memory_space<semaphore_mem>>)
    %scan3A = arith.constant 0 : i32
    %scan3A_301 = arith.constant 1 : i32
    %scan3A_302 = arith.constant 38 : i32
    %scan3A_303 = arith.addi %scan3A_301, %scan3A_302 : i32
    %scan3A_304 = arith.constant 1 : i32
    scf.for %scan3A_556 = %scan3A_301 to %scan3A_303 step %scan3A_304  : i32 {
      %mul3A_557 = arith.constant 5 : i32
      %mul3A_558 = arith.muli %scan3A_556, %mul3A_557 : i32
      %add3A_559 = arith.constant 0 : i32
      %add3A_560 = arith.addi %mul3A_558, %add3A_559 : i32
      %add3A_561 = arith.constant 5 : i32
      %add3A_562 = arith.addi %add3A_560, %add3A_561 : i32
      %sub3A = arith.constant 1 : i32
      %sub3A_563 = arith.subi %add3A_562, %sub3A : i32
      %dma_wait3A_564 = arith.constant 0 : i32
      %dma_wait3A_565 = arith.constant 0 : i32
      %dma_wait3A_566 = arith.constant 0 : i32
      %dma_wait3A_567 = tpu.memref_slice %arg6[%dma_wait3A_564, %dma_wait3A_565, %dma_wait3A_566] : memref<5x128x128xf32, #tpu.memory_space<vmem>> -> memref<1x128x128xf32, #tpu.memory_space<vmem>>
      %dma_wait3A_568 = tpu.memref_squeeze %dma_wait3A_567 : memref<1x128x128xf32, #tpu.memory_space<vmem>> -> memref<128x128xf32, #tpu.memory_space<vmem>>
      %dma_wait3A_569 = arith.constant 0 : i32
      %dma_wait3A_570 = arith.constant 0 : i32
      %dma_wait3A_571 = tpu.memref_slice %arg3[%dma_wait3A_569, %dma_wait3A_570] : memref<100000x128xf32, #tpu.memory_space<hbm>> -> memref<128x128xf32, #tpu.memory_space<hbm>>
      %dma_wait3A_572 = arith.constant 0 : i32
      %dma_wait3A_573 = arith.constant 0 : i32
      %dma_wait3A_574 = tpu.memref_slice %arg6[%dma_wait3A_564, %dma_wait3A_572, %dma_wait3A_573] : memref<5x128x128xf32, #tpu.memory_space<vmem>> -> memref<1x128x128xf32, #tpu.memory_space<vmem>>
      %dma_wait3A_575 = tpu.memref_squeeze %dma_wait3A_574 : memref<1x128x128xf32, #tpu.memory_space<vmem>> -> memref<128x128xf32, #tpu.memory_space<vmem>>
      %dma_wait3A_576 = arith.constant 0 : i32
      %dma_wait3A_577 = arith.constant 0 : i32
      %dma_wait3A_578 = tpu.memref_slice %arg3[%dma_wait3A_576, %dma_wait3A_577] : memref<100000x128xf32, #tpu.memory_space<hbm>> -> memref<128x128xf32, #tpu.memory_space<hbm>>
      tpu.wait_dma2 semaphore(%arg7 : memref<!tpu.dma_semaphore, #tpu.memory_space<semaphore_mem>>) src(%dma_wait3A_578 : memref<128x128xf32, #tpu.memory_space<hbm>>) dst(%dma_wait3A_575 : memref<128x128xf32, #tpu.memory_space<vmem>>)
      %mul3A_579 = arith.constant 128 : i32
      %mul3A_580 = arith.muli %add3A_560, %mul3A_579 : i32
      %add3A_581 = arith.addi %mul3A_2, %mul3A_580 : i32
      %dma_start3A_582 = arith.constant 0 : i32
      %dma_start3A_583 = arith.constant 0 : i32
      %dma_start3A_584 = arith.constant 0 : i32
      %dma_start3A_585 = tpu.memref_slice %arg6[%dma_start3A_582, %dma_start3A_583, %dma_start3A_584] : memref<5x128x128xf32, #tpu.memory_space<vmem>> -> memref<1x128x128xf32, #tpu.memory_space<vmem>>
      %dma_start3A_586 = tpu.memref_squeeze %dma_start3A_585 : memref<1x128x128xf32, #tpu.memory_space<vmem>> -> memref<128x128xf32, #tpu.memory_space<vmem>>
      %dma_start3A_587 = arith.constant 0 : i32
      %dma_start3A_588 = tpu.memref_slice %arg4[%add3A_581, %dma_start3A_587] : memref<819200x128xf32, #tpu.memory_space<hbm>> -> memref<128x128xf32, #tpu.memory_space<hbm>>
      %dma_start3A_589 = arith.constant 0 : i32
      %dma_start3A_590 = tpu.memref_slice %arg4[%add3A_581, %dma_start3A_589] : memref<819200x128xf32, #tpu.memory_space<hbm>> -> memref<128x128xf32, #tpu.memory_space<hbm>>
      %dma_start3A_591 = arith.constant 0 : i32
      %dma_start3A_592 = arith.constant 0 : i32
      %dma_start3A_593 = tpu.memref_slice %arg6[%dma_start3A_582, %dma_start3A_591, %dma_start3A_592] : memref<5x128x128xf32, #tpu.memory_space<vmem>> -> memref<1x128x128xf32, #tpu.memory_space<vmem>>
      %dma_start3A_594 = tpu.memref_squeeze %dma_start3A_593 : memref<1x128x128xf32, #tpu.memory_space<vmem>> -> memref<128x128xf32, #tpu.memory_space<vmem>>
      tpu.enqueue_dma source(%dma_start3A_594 : memref<128x128xf32, #tpu.memory_space<vmem>>) target(%dma_start3A_590 : memref<128x128xf32, #tpu.memory_space<hbm>>) target_semaphore(%arg12 : memref<!tpu.dma_semaphore, #tpu.memory_space<semaphore_mem>>)
      %dma_wait3A_595 = arith.constant 4 : i32
      %dma_wait3A_596 = arith.constant 0 : i32
      %dma_wait3A_597 = arith.constant 0 : i32
      %dma_wait3A_598 = tpu.memref_slice %arg6[%dma_wait3A_595, %dma_wait3A_596, %dma_wait3A_597] : memref<5x128x128xf32, #tpu.memory_space<vmem>> -> memref<1x128x128xf32, #tpu.memory_space<vmem>>
      %dma_wait3A_599 = tpu.memref_squeeze %dma_wait3A_598 : memref<1x128x128xf32, #tpu.memory_space<vmem>> -> memref<128x128xf32, #tpu.memory_space<vmem>>
      %dma_wait3A_600 = arith.constant 0 : i32
      %dma_wait3A_601 = arith.constant 0 : i32
      %dma_wait3A_602 = tpu.memref_slice %arg4[%dma_wait3A_600, %dma_wait3A_601] : memref<819200x128xf32, #tpu.memory_space<hbm>> -> memref<128x128xf32, #tpu.memory_space<hbm>>
      %dma_wait3A_603 = arith.constant 0 : i32
      %dma_wait3A_604 = arith.constant 0 : i32
      %dma_wait3A_605 = tpu.memref_slice %arg4[%dma_wait3A_603, %dma_wait3A_604] : memref<819200x128xf32, #tpu.memory_space<hbm>> -> memref<128x128xf32, #tpu.memory_space<hbm>>
      %dma_wait3A_606 = arith.constant 0 : i32
      %dma_wait3A_607 = arith.constant 0 : i32
      %dma_wait3A_608 = tpu.memref_slice %arg6[%dma_wait3A_595, %dma_wait3A_606, %dma_wait3A_607] : memref<5x128x128xf32, #tpu.memory_space<vmem>> -> memref<1x128x128xf32, #tpu.memory_space<vmem>>
      %dma_wait3A_609 = tpu.memref_squeeze %dma_wait3A_608 : memref<1x128x128xf32, #tpu.memory_space<vmem>> -> memref<128x128xf32, #tpu.memory_space<vmem>>
      tpu.wait_dma2 semaphore(%arg16 : memref<!tpu.dma_semaphore, #tpu.memory_space<semaphore_mem>>) src(%dma_wait3A_609 : memref<128x128xf32, #tpu.memory_space<vmem>>) dst(%dma_wait3A_605 : memref<128x128xf32, #tpu.memory_space<hbm>>)
      %mul3A_610 = arith.constant 128 : i32
      %mul3A_611 = arith.muli %sub3A_563, %mul3A_610 : i32
      %dma_start3A_612 = arith.constant 4 : i32
      %dma_start3A_613 = arith.constant 0 : i32
      %dma_start3A_614 = arith.constant 0 : i32
      %dma_start3A_615 = tpu.memref_slice %arg6[%dma_start3A_612, %dma_start3A_613, %dma_start3A_614] : memref<5x128x128xf32, #tpu.memory_space<vmem>> -> memref<1x128x128xf32, #tpu.memory_space<vmem>>
      %dma_start3A_616 = tpu.memref_squeeze %dma_start3A_615 : memref<1x128x128xf32, #tpu.memory_space<vmem>> -> memref<128x128xf32, #tpu.memory_space<vmem>>
      %dma_start3A_617 = tpu.memref_slice %arg5[%mul3A_611] : memref<25600xi32, #tpu.memory_space<vmem>> -> memref<128xi32, #tpu.memory_space<vmem>>
      %dma_start3A_618 = arith.constant 0 : i32
      %dma_start3A_619 = arith.constant 0 : i32
      %dma_start3A_620 = tpu.memref_slice %arg3[%dma_start3A_618, %dma_start3A_619] : memref<100000x128xf32, #tpu.memory_space<hbm>> -> memref<100000x128xf32, #tpu.memory_space<hbm>>
      tpu.enqueue_indirect_dma source(%dma_start3A_620 : memref<100000x128xf32, #tpu.memory_space<hbm>>) target(%dma_start3A_616 : memref<128x128xf32, #tpu.memory_space<vmem>>) offsets(%dma_start3A_617 : memref<128xi32, #tpu.memory_space<vmem>>) semaphore(%arg11 : memref<!tpu.dma_semaphore, #tpu.memory_space<semaphore_mem>>)
      %mul3A_621 = arith.constant 5 : i32
      %mul3A_622 = arith.muli %scan3A_556, %mul3A_621 : i32
      %add3A_623 = arith.constant 1 : i32
      %add3A_624 = arith.addi %mul3A_622, %add3A_623 : i32
      %add3A_625 = arith.constant 5 : i32
      %add3A_626 = arith.addi %add3A_624, %add3A_625 : i32
      %sub3A_627 = arith.constant 1 : i32
      %sub3A_628 = arith.subi %add3A_626, %sub3A_627 : i32
      %dma_wait3A_629 = arith.constant 1 : i32
      %dma_wait3A_630 = arith.constant 0 : i32
      %dma_wait3A_631 = arith.constant 0 : i32
      %dma_wait3A_632 = tpu.memref_slice %arg6[%dma_wait3A_629, %dma_wait3A_630, %dma_wait3A_631] : memref<5x128x128xf32, #tpu.memory_space<vmem>> -> memref<1x128x128xf32, #tpu.memory_space<vmem>>
      %dma_wait3A_633 = tpu.memref_squeeze %dma_wait3A_632 : memref<1x128x128xf32, #tpu.memory_space<vmem>> -> memref<128x128xf32, #tpu.memory_space<vmem>>
      %dma_wait3A_634 = arith.constant 0 : i32
      %dma_wait3A_635 = arith.constant 0 : i32
      %dma_wait3A_636 = tpu.memref_slice %arg3[%dma_wait3A_634, %dma_wait3A_635] : memref<100000x128xf32, #tpu.memory_space<hbm>> -> memref<128x128xf32, #tpu.memory_space<hbm>>
      %dma_wait3A_637 = arith.constant 0 : i32
      %dma_wait3A_638 = arith.constant 0 : i32
      %dma_wait3A_639 = tpu.memref_slice %arg6[%dma_wait3A_629, %dma_wait3A_637, %dma_wait3A_638] : memref<5x128x128xf32, #tpu.memory_space<vmem>> -> memref<1x128x128xf32, #tpu.memory_space<vmem>>
      %dma_wait3A_640 = tpu.memref_squeeze %dma_wait3A_639 : memref<1x128x128xf32, #tpu.memory_space<vmem>> -> memref<128x128xf32, #tpu.memory_space<vmem>>
      %dma_wait3A_641 = arith.constant 0 : i32
      %dma_wait3A_642 = arith.constant 0 : i32
      %dma_wait3A_643 = tpu.memref_slice %arg3[%dma_wait3A_641, %dma_wait3A_642] : memref<100000x128xf32, #tpu.memory_space<hbm>> -> memref<128x128xf32, #tpu.memory_space<hbm>>
      tpu.wait_dma2 semaphore(%arg8 : memref<!tpu.dma_semaphore, #tpu.memory_space<semaphore_mem>>) src(%dma_wait3A_643 : memref<128x128xf32, #tpu.memory_space<hbm>>) dst(%dma_wait3A_640 : memref<128x128xf32, #tpu.memory_space<vmem>>)
      %mul3A_644 = arith.constant 128 : i32
      %mul3A_645 = arith.muli %add3A_624, %mul3A_644 : i32
      %add3A_646 = arith.addi %mul3A_2, %mul3A_645 : i32
      %dma_start3A_647 = arith.constant 1 : i32
      %dma_start3A_648 = arith.constant 0 : i32
      %dma_start3A_649 = arith.constant 0 : i32
      %dma_start3A_650 = tpu.memref_slice %arg6[%dma_start3A_647, %dma_start3A_648, %dma_start3A_649] : memref<5x128x128xf32, #tpu.memory_space<vmem>> -> memref<1x128x128xf32, #tpu.memory_space<vmem>>
      %dma_start3A_651 = tpu.memref_squeeze %dma_start3A_650 : memref<1x128x128xf32, #tpu.memory_space<vmem>> -> memref<128x128xf32, #tpu.memory_space<vmem>>
      %dma_start3A_652 = arith.constant 0 : i32
      %dma_start3A_653 = tpu.memref_slice %arg4[%add3A_646, %dma_start3A_652] : memref<819200x128xf32, #tpu.memory_space<hbm>> -> memref<128x128xf32, #tpu.memory_space<hbm>>
      %dma_start3A_654 = arith.constant 0 : i32
      %dma_start3A_655 = tpu.memref_slice %arg4[%add3A_646, %dma_start3A_654] : memref<819200x128xf32, #tpu.memory_space<hbm>> -> memref<128x128xf32, #tpu.memory_space<hbm>>
      %dma_start3A_656 = arith.constant 0 : i32
      %dma_start3A_657 = arith.constant 0 : i32
      %dma_start3A_658 = tpu.memref_slice %arg6[%dma_start3A_647, %dma_start3A_656, %dma_start3A_657] : memref<5x128x128xf32, #tpu.memory_space<vmem>> -> memref<1x128x128xf32, #tpu.memory_space<vmem>>
      %dma_start3A_659 = tpu.memref_squeeze %dma_start3A_658 : memref<1x128x128xf32, #tpu.memory_space<vmem>> -> memref<128x128xf32, #tpu.memory_space<vmem>>
      tpu.enqueue_dma source(%dma_start3A_659 : memref<128x128xf32, #tpu.memory_space<vmem>>) target(%dma_start3A_655 : memref<128x128xf32, #tpu.memory_space<hbm>>) target_semaphore(%arg13 : memref<!tpu.dma_semaphore, #tpu.memory_space<semaphore_mem>>)
      %dma_wait3A_660 = arith.constant 0 : i32
      %dma_wait3A_661 = arith.constant 0 : i32
      %dma_wait3A_662 = arith.constant 0 : i32
      %dma_wait3A_663 = tpu.memref_slice %arg6[%dma_wait3A_660, %dma_wait3A_661, %dma_wait3A_662] : memref<5x128x128xf32, #tpu.memory_space<vmem>> -> memref<1x128x128xf32, #tpu.memory_space<vmem>>
      %dma_wait3A_664 = tpu.memref_squeeze %dma_wait3A_663 : memref<1x128x128xf32, #tpu.memory_space<vmem>> -> memref<128x128xf32, #tpu.memory_space<vmem>>
      %dma_wait3A_665 = arith.constant 0 : i32
      %dma_wait3A_666 = arith.constant 0 : i32
      %dma_wait3A_667 = tpu.memref_slice %arg4[%dma_wait3A_665, %dma_wait3A_666] : memref<819200x128xf32, #tpu.memory_space<hbm>> -> memref<128x128xf32, #tpu.memory_space<hbm>>
      %dma_wait3A_668 = arith.constant 0 : i32
      %dma_wait3A_669 = arith.constant 0 : i32
      %dma_wait3A_670 = tpu.memref_slice %arg4[%dma_wait3A_668, %dma_wait3A_669] : memref<819200x128xf32, #tpu.memory_space<hbm>> -> memref<128x128xf32, #tpu.memory_space<hbm>>
      %dma_wait3A_671 = arith.constant 0 : i32
      %dma_wait3A_672 = arith.constant 0 : i32
      %dma_wait3A_673 = tpu.memref_slice %arg6[%dma_wait3A_660, %dma_wait3A_671, %dma_wait3A_672] : memref<5x128x128xf32, #tpu.memory_space<vmem>> -> memref<1x128x128xf32, #tpu.memory_space<vmem>>
      %dma_wait3A_674 = tpu.memref_squeeze %dma_wait3A_673 : memref<1x128x128xf32, #tpu.memory_space<vmem>> -> memref<128x128xf32, #tpu.memory_space<vmem>>
      tpu.wait_dma2 semaphore(%arg12 : memref<!tpu.dma_semaphore, #tpu.memory_space<semaphore_mem>>) src(%dma_wait3A_674 : memref<128x128xf32, #tpu.memory_space<vmem>>) dst(%dma_wait3A_670 : memref<128x128xf32, #tpu.memory_space<hbm>>)
      %mul3A_675 = arith.constant 128 : i32
      %mul3A_676 = arith.muli %sub3A_628, %mul3A_675 : i32
      %dma_start3A_677 = arith.constant 0 : i32
      %dma_start3A_678 = arith.constant 0 : i32
      %dma_start3A_679 = arith.constant 0 : i32
      %dma_start3A_680 = tpu.memref_slice %arg6[%dma_start3A_677, %dma_start3A_678, %dma_start3A_679] : memref<5x128x128xf32, #tpu.memory_space<vmem>> -> memref<1x128x128xf32, #tpu.memory_space<vmem>>
      %dma_start3A_681 = tpu.memref_squeeze %dma_start3A_680 : memref<1x128x128xf32, #tpu.memory_space<vmem>> -> memref<128x128xf32, #tpu.memory_space<vmem>>
      %dma_start3A_682 = tpu.memref_slice %arg5[%mul3A_676] : memref<25600xi32, #tpu.memory_space<vmem>> -> memref<128xi32, #tpu.memory_space<vmem>>
      %dma_start3A_683 = arith.constant 0 : i32
      %dma_start3A_684 = arith.constant 0 : i32
      %dma_start3A_685 = tpu.memref_slice %arg3[%dma_start3A_683, %dma_start3A_684] : memref<100000x128xf32, #tpu.memory_space<hbm>> -> memref<100000x128xf32, #tpu.memory_space<hbm>>
      tpu.enqueue_indirect_dma source(%dma_start3A_685 : memref<100000x128xf32, #tpu.memory_space<hbm>>) target(%dma_start3A_681 : memref<128x128xf32, #tpu.memory_space<vmem>>) offsets(%dma_start3A_682 : memref<128xi32, #tpu.memory_space<vmem>>) semaphore(%arg7 : memref<!tpu.dma_semaphore, #tpu.memory_space<semaphore_mem>>)
      %mul3A_686 = arith.constant 5 : i32
      %mul3A_687 = arith.muli %scan3A_556, %mul3A_686 : i32
      %add3A_688 = arith.constant 2 : i32
      %add3A_689 = arith.addi %mul3A_687, %add3A_688 : i32
      %add3A_690 = arith.constant 5 : i32
      %add3A_691 = arith.addi %add3A_689, %add3A_690 : i32
      %sub3A_692 = arith.constant 1 : i32
      %sub3A_693 = arith.subi %add3A_691, %sub3A_692 : i32
      %dma_wait3A_694 = arith.constant 2 : i32
      %dma_wait3A_695 = arith.constant 0 : i32
      %dma_wait3A_696 = arith.constant 0 : i32
      %dma_wait3A_697 = tpu.memref_slice %arg6[%dma_wait3A_694, %dma_wait3A_695, %dma_wait3A_696] : memref<5x128x128xf32, #tpu.memory_space<vmem>> -> memref<1x128x128xf32, #tpu.memory_space<vmem>>
      %dma_wait3A_698 = tpu.memref_squeeze %dma_wait3A_697 : memref<1x128x128xf32, #tpu.memory_space<vmem>> -> memref<128x128xf32, #tpu.memory_space<vmem>>
      %dma_wait3A_699 = arith.constant 0 : i32
      %dma_wait3A_700 = arith.constant 0 : i32
      %dma_wait3A_701 = tpu.memref_slice %arg3[%dma_wait3A_699, %dma_wait3A_700] : memref<100000x128xf32, #tpu.memory_space<hbm>> -> memref<128x128xf32, #tpu.memory_space<hbm>>
      %dma_wait3A_702 = arith.constant 0 : i32
      %dma_wait3A_703 = arith.constant 0 : i32
      %dma_wait3A_704 = tpu.memref_slice %arg6[%dma_wait3A_694, %dma_wait3A_702, %dma_wait3A_703] : memref<5x128x128xf32, #tpu.memory_space<vmem>> -> memref<1x128x128xf32, #tpu.memory_space<vmem>>
      %dma_wait3A_705 = tpu.memref_squeeze %dma_wait3A_704 : memref<1x128x128xf32, #tpu.memory_space<vmem>> -> memref<128x128xf32, #tpu.memory_space<vmem>>
      %dma_wait3A_706 = arith.constant 0 : i32
      %dma_wait3A_707 = arith.constant 0 : i32
      %dma_wait3A_708 = tpu.memref_slice %arg3[%dma_wait3A_706, %dma_wait3A_707] : memref<100000x128xf32, #tpu.memory_space<hbm>> -> memref<128x128xf32, #tpu.memory_space<hbm>>
      tpu.wait_dma2 semaphore(%arg9 : memref<!tpu.dma_semaphore, #tpu.memory_space<semaphore_mem>>) src(%dma_wait3A_708 : memref<128x128xf32, #tpu.memory_space<hbm>>) dst(%dma_wait3A_705 : memref<128x128xf32, #tpu.memory_space<vmem>>)
      %mul3A_709 = arith.constant 128 : i32
      %mul3A_710 = arith.muli %add3A_689, %mul3A_709 : i32
      %add3A_711 = arith.addi %mul3A_2, %mul3A_710 : i32
      %dma_start3A_712 = arith.constant 2 : i32
      %dma_start3A_713 = arith.constant 0 : i32
      %dma_start3A_714 = arith.constant 0 : i32
      %dma_start3A_715 = tpu.memref_slice %arg6[%dma_start3A_712, %dma_start3A_713, %dma_start3A_714] : memref<5x128x128xf32, #tpu.memory_space<vmem>> -> memref<1x128x128xf32, #tpu.memory_space<vmem>>
      %dma_start3A_716 = tpu.memref_squeeze %dma_start3A_715 : memref<1x128x128xf32, #tpu.memory_space<vmem>> -> memref<128x128xf32, #tpu.memory_space<vmem>>
      %dma_start3A_717 = arith.constant 0 : i32
      %dma_start3A_718 = tpu.memref_slice %arg4[%add3A_711, %dma_start3A_717] : memref<819200x128xf32, #tpu.memory_space<hbm>> -> memref<128x128xf32, #tpu.memory_space<hbm>>
      %dma_start3A_719 = arith.constant 0 : i32
      %dma_start3A_720 = tpu.memref_slice %arg4[%add3A_711, %dma_start3A_719] : memref<819200x128xf32, #tpu.memory_space<hbm>> -> memref<128x128xf32, #tpu.memory_space<hbm>>
      %dma_start3A_721 = arith.constant 0 : i32
      %dma_start3A_722 = arith.constant 0 : i32
      %dma_start3A_723 = tpu.memref_slice %arg6[%dma_start3A_712, %dma_start3A_721, %dma_start3A_722] : memref<5x128x128xf32, #tpu.memory_space<vmem>> -> memref<1x128x128xf32, #tpu.memory_space<vmem>>
      %dma_start3A_724 = tpu.memref_squeeze %dma_start3A_723 : memref<1x128x128xf32, #tpu.memory_space<vmem>> -> memref<128x128xf32, #tpu.memory_space<vmem>>
      tpu.enqueue_dma source(%dma_start3A_724 : memref<128x128xf32, #tpu.memory_space<vmem>>) target(%dma_start3A_720 : memref<128x128xf32, #tpu.memory_space<hbm>>) target_semaphore(%arg14 : memref<!tpu.dma_semaphore, #tpu.memory_space<semaphore_mem>>)
      %dma_wait3A_725 = arith.constant 1 : i32
      %dma_wait3A_726 = arith.constant 0 : i32
      %dma_wait3A_727 = arith.constant 0 : i32
      %dma_wait3A_728 = tpu.memref_slice %arg6[%dma_wait3A_725, %dma_wait3A_726, %dma_wait3A_727] : memref<5x128x128xf32, #tpu.memory_space<vmem>> -> memref<1x128x128xf32, #tpu.memory_space<vmem>>
      %dma_wait3A_729 = tpu.memref_squeeze %dma_wait3A_728 : memref<1x128x128xf32, #tpu.memory_space<vmem>> -> memref<128x128xf32, #tpu.memory_space<vmem>>
      %dma_wait3A_730 = arith.constant 0 : i32
      %dma_wait3A_731 = arith.constant 0 : i32
      %dma_wait3A_732 = tpu.memref_slice %arg4[%dma_wait3A_730, %dma_wait3A_731] : memref<819200x128xf32, #tpu.memory_space<hbm>> -> memref<128x128xf32, #tpu.memory_space<hbm>>
      %dma_wait3A_733 = arith.constant 0 : i32
      %dma_wait3A_734 = arith.constant 0 : i32
      %dma_wait3A_735 = tpu.memref_slice %arg4[%dma_wait3A_733, %dma_wait3A_734] : memref<819200x128xf32, #tpu.memory_space<hbm>> -> memref<128x128xf32, #tpu.memory_space<hbm>>
      %dma_wait3A_736 = arith.constant 0 : i32
      %dma_wait3A_737 = arith.constant 0 : i32
      %dma_wait3A_738 = tpu.memref_slice %arg6[%dma_wait3A_725, %dma_wait3A_736, %dma_wait3A_737] : memref<5x128x128xf32, #tpu.memory_space<vmem>> -> memref<1x128x128xf32, #tpu.memory_space<vmem>>
      %dma_wait3A_739 = tpu.memref_squeeze %dma_wait3A_738 : memref<1x128x128xf32, #tpu.memory_space<vmem>> -> memref<128x128xf32, #tpu.memory_space<vmem>>
      tpu.wait_dma2 semaphore(%arg13 : memref<!tpu.dma_semaphore, #tpu.memory_space<semaphore_mem>>) src(%dma_wait3A_739 : memref<128x128xf32, #tpu.memory_space<vmem>>) dst(%dma_wait3A_735 : memref<128x128xf32, #tpu.memory_space<hbm>>)
      %mul3A_740 = arith.constant 128 : i32
      %mul3A_741 = arith.muli %sub3A_693, %mul3A_740 : i32
      %dma_start3A_742 = arith.constant 1 : i32
      %dma_start3A_743 = arith.constant 0 : i32
      %dma_start3A_744 = arith.constant 0 : i32
      %dma_start3A_745 = tpu.memref_slice %arg6[%dma_start3A_742, %dma_start3A_743, %dma_start3A_744] : memref<5x128x128xf32, #tpu.memory_space<vmem>> -> memref<1x128x128xf32, #tpu.memory_space<vmem>>
      %dma_start3A_746 = tpu.memref_squeeze %dma_start3A_745 : memref<1x128x128xf32, #tpu.memory_space<vmem>> -> memref<128x128xf32, #tpu.memory_space<vmem>>
      %dma_start3A_747 = tpu.memref_slice %arg5[%mul3A_741] : memref<25600xi32, #tpu.memory_space<vmem>> -> memref<128xi32, #tpu.memory_space<vmem>>
      %dma_start3A_748 = arith.constant 0 : i32
      %dma_start3A_749 = arith.constant 0 : i32
      %dma_start3A_750 = tpu.memref_slice %arg3[%dma_start3A_748, %dma_start3A_749] : memref<100000x128xf32, #tpu.memory_space<hbm>> -> memref<100000x128xf32, #tpu.memory_space<hbm>>
      tpu.enqueue_indirect_dma source(%dma_start3A_750 : memref<100000x128xf32, #tpu.memory_space<hbm>>) target(%dma_start3A_746 : memref<128x128xf32, #tpu.memory_space<vmem>>) offsets(%dma_start3A_747 : memref<128xi32, #tpu.memory_space<vmem>>) semaphore(%arg8 : memref<!tpu.dma_semaphore, #tpu.memory_space<semaphore_mem>>)
      %mul3A_751 = arith.constant 5 : i32
      %mul3A_752 = arith.muli %scan3A_556, %mul3A_751 : i32
      %add3A_753 = arith.constant 3 : i32
      %add3A_754 = arith.addi %mul3A_752, %add3A_753 : i32
      %add3A_755 = arith.constant 5 : i32
      %add3A_756 = arith.addi %add3A_754, %add3A_755 : i32
      %sub3A_757 = arith.constant 1 : i32
      %sub3A_758 = arith.subi %add3A_756, %sub3A_757 : i32
      %dma_wait3A_759 = arith.constant 3 : i32
      %dma_wait3A_760 = arith.constant 0 : i32
      %dma_wait3A_761 = arith.constant 0 : i32
      %dma_wait3A_762 = tpu.memref_slice %arg6[%dma_wait3A_759, %dma_wait3A_760, %dma_wait3A_761] : memref<5x128x128xf32, #tpu.memory_space<vmem>> -> memref<1x128x128xf32, #tpu.memory_space<vmem>>
      %dma_wait3A_763 = tpu.memref_squeeze %dma_wait3A_762 : memref<1x128x128xf32, #tpu.memory_space<vmem>> -> memref<128x128xf32, #tpu.memory_space<vmem>>
      %dma_wait3A_764 = arith.constant 0 : i32
      %dma_wait3A_765 = arith.constant 0 : i32
      %dma_wait3A_766 = tpu.memref_slice %arg3[%dma_wait3A_764, %dma_wait3A_765] : memref<100000x128xf32, #tpu.memory_space<hbm>> -> memref<128x128xf32, #tpu.memory_space<hbm>>
      %dma_wait3A_767 = arith.constant 0 : i32
      %dma_wait3A_768 = arith.constant 0 : i32
      %dma_wait3A_769 = tpu.memref_slice %arg6[%dma_wait3A_759, %dma_wait3A_767, %dma_wait3A_768] : memref<5x128x128xf32, #tpu.memory_space<vmem>> -> memref<1x128x128xf32, #tpu.memory_space<vmem>>
      %dma_wait3A_770 = tpu.memref_squeeze %dma_wait3A_769 : memref<1x128x128xf32, #tpu.memory_space<vmem>> -> memref<128x128xf32, #tpu.memory_space<vmem>>
      %dma_wait3A_771 = arith.constant 0 : i32
      %dma_wait3A_772 = arith.constant 0 : i32
      %dma_wait3A_773 = tpu.memref_slice %arg3[%dma_wait3A_771, %dma_wait3A_772] : memref<100000x128xf32, #tpu.memory_space<hbm>> -> memref<128x128xf32, #tpu.memory_space<hbm>>
      tpu.wait_dma2 semaphore(%arg10 : memref<!tpu.dma_semaphore, #tpu.memory_space<semaphore_mem>>) src(%dma_wait3A_773 : memref<128x128xf32, #tpu.memory_space<hbm>>) dst(%dma_wait3A_770 : memref<128x128xf32, #tpu.memory_space<vmem>>)
      %mul3A_774 = arith.constant 128 : i32
      %mul3A_775 = arith.muli %add3A_754, %mul3A_774 : i32
      %add3A_776 = arith.addi %mul3A_2, %mul3A_775 : i32
      %dma_start3A_777 = arith.constant 3 : i32
      %dma_start3A_778 = arith.constant 0 : i32
      %dma_start3A_779 = arith.constant 0 : i32
      %dma_start3A_780 = tpu.memref_slice %arg6[%dma_start3A_777, %dma_start3A_778, %dma_start3A_779] : memref<5x128x128xf32, #tpu.memory_space<vmem>> -> memref<1x128x128xf32, #tpu.memory_space<vmem>>
      %dma_start3A_781 = tpu.memref_squeeze %dma_start3A_780 : memref<1x128x128xf32, #tpu.memory_space<vmem>> -> memref<128x128xf32, #tpu.memory_space<vmem>>
      %dma_start3A_782 = arith.constant 0 : i32
      %dma_start3A_783 = tpu.memref_slice %arg4[%add3A_776, %dma_start3A_782] : memref<819200x128xf32, #tpu.memory_space<hbm>> -> memref<128x128xf32, #tpu.memory_space<hbm>>
      %dma_start3A_784 = arith.constant 0 : i32
      %dma_start3A_785 = tpu.memref_slice %arg4[%add3A_776, %dma_start3A_784] : memref<819200x128xf32, #tpu.memory_space<hbm>> -> memref<128x128xf32, #tpu.memory_space<hbm>>
      %dma_start3A_786 = arith.constant 0 : i32
      %dma_start3A_787 = arith.constant 0 : i32
      %dma_start3A_788 = tpu.memref_slice %arg6[%dma_start3A_777, %dma_start3A_786, %dma_start3A_787] : memref<5x128x128xf32, #tpu.memory_space<vmem>> -> memref<1x128x128xf32, #tpu.memory_space<vmem>>
      %dma_start3A_789 = tpu.memref_squeeze %dma_start3A_788 : memref<1x128x128xf32, #tpu.memory_space<vmem>> -> memref<128x128xf32, #tpu.memory_space<vmem>>
      tpu.enqueue_dma source(%dma_start3A_789 : memref<128x128xf32, #tpu.memory_space<vmem>>) target(%dma_start3A_785 : memref<128x128xf32, #tpu.memory_space<hbm>>) target_semaphore(%arg15 : memref<!tpu.dma_semaphore, #tpu.memory_space<semaphore_mem>>)
      %dma_wait3A_790 = arith.constant 2 : i32
      %dma_wait3A_791 = arith.constant 0 : i32
      %dma_wait3A_792 = arith.constant 0 : i32
      %dma_wait3A_793 = tpu.memref_slice %arg6[%dma_wait3A_790, %dma_wait3A_791, %dma_wait3A_792] : memref<5x128x128xf32, #tpu.memory_space<vmem>> -> memref<1x128x128xf32, #tpu.memory_space<vmem>>
      %dma_wait3A_794 = tpu.memref_squeeze %dma_wait3A_793 : memref<1x128x128xf32, #tpu.memory_space<vmem>> -> memref<128x128xf32, #tpu.memory_space<vmem>>
      %dma_wait3A_795 = arith.constant 0 : i32
      %dma_wait3A_796 = arith.constant 0 : i32
      %dma_wait3A_797 = tpu.memref_slice %arg4[%dma_wait3A_795, %dma_wait3A_796] : memref<819200x128xf32, #tpu.memory_space<hbm>> -> memref<128x128xf32, #tpu.memory_space<hbm>>
      %dma_wait3A_798 = arith.constant 0 : i32
      %dma_wait3A_799 = arith.constant 0 : i32
      %dma_wait3A_800 = tpu.memref_slice %arg4[%dma_wait3A_798, %dma_wait3A_799] : memref<819200x128xf32, #tpu.memory_space<hbm>> -> memref<128x128xf32, #tpu.memory_space<hbm>>
      %dma_wait3A_801 = arith.constant 0 : i32
      %dma_wait3A_802 = arith.constant 0 : i32
      %dma_wait3A_803 = tpu.memref_slice %arg6[%dma_wait3A_790, %dma_wait3A_801, %dma_wait3A_802] : memref<5x128x128xf32, #tpu.memory_space<vmem>> -> memref<1x128x128xf32, #tpu.memory_space<vmem>>
      %dma_wait3A_804 = tpu.memref_squeeze %dma_wait3A_803 : memref<1x128x128xf32, #tpu.memory_space<vmem>> -> memref<128x128xf32, #tpu.memory_space<vmem>>
      tpu.wait_dma2 semaphore(%arg14 : memref<!tpu.dma_semaphore, #tpu.memory_space<semaphore_mem>>) src(%dma_wait3A_804 : memref<128x128xf32, #tpu.memory_space<vmem>>) dst(%dma_wait3A_800 : memref<128x128xf32, #tpu.memory_space<hbm>>)
      %mul3A_805 = arith.constant 128 : i32
      %mul3A_806 = arith.muli %sub3A_758, %mul3A_805 : i32
      %dma_start3A_807 = arith.constant 2 : i32
      %dma_start3A_808 = arith.constant 0 : i32
      %dma_start3A_809 = arith.constant 0 : i32
      %dma_start3A_810 = tpu.memref_slice %arg6[%dma_start3A_807, %dma_start3A_808, %dma_start3A_809] : memref<5x128x128xf32, #tpu.memory_space<vmem>> -> memref<1x128x128xf32, #tpu.memory_space<vmem>>
      %dma_start3A_811 = tpu.memref_squeeze %dma_start3A_810 : memref<1x128x128xf32, #tpu.memory_space<vmem>> -> memref<128x128xf32, #tpu.memory_space<vmem>>
      %dma_start3A_812 = tpu.memref_slice %arg5[%mul3A_806] : memref<25600xi32, #tpu.memory_space<vmem>> -> memref<128xi32, #tpu.memory_space<vmem>>
      %dma_start3A_813 = arith.constant 0 : i32
      %dma_start3A_814 = arith.constant 0 : i32
      %dma_start3A_815 = tpu.memref_slice %arg3[%dma_start3A_813, %dma_start3A_814] : memref<100000x128xf32, #tpu.memory_space<hbm>> -> memref<100000x128xf32, #tpu.memory_space<hbm>>
      tpu.enqueue_indirect_dma source(%dma_start3A_815 : memref<100000x128xf32, #tpu.memory_space<hbm>>) target(%dma_start3A_811 : memref<128x128xf32, #tpu.memory_space<vmem>>) offsets(%dma_start3A_812 : memref<128xi32, #tpu.memory_space<vmem>>) semaphore(%arg9 : memref<!tpu.dma_semaphore, #tpu.memory_space<semaphore_mem>>)
      %mul3A_816 = arith.constant 5 : i32
      %mul3A_817 = arith.muli %scan3A_556, %mul3A_816 : i32
      %add3A_818 = arith.constant 4 : i32
      %add3A_819 = arith.addi %mul3A_817, %add3A_818 : i32
      %add3A_820 = arith.constant 5 : i32
      %add3A_821 = arith.addi %add3A_819, %add3A_820 : i32
      %sub3A_822 = arith.constant 1 : i32
      %sub3A_823 = arith.subi %add3A_821, %sub3A_822 : i32
      %dma_wait3A_824 = arith.constant 4 : i32
      %dma_wait3A_825 = arith.constant 0 : i32
      %dma_wait3A_826 = arith.constant 0 : i32
      %dma_wait3A_827 = tpu.memref_slice %arg6[%dma_wait3A_824, %dma_wait3A_825, %dma_wait3A_826] : memref<5x128x128xf32, #tpu.memory_space<vmem>> -> memref<1x128x128xf32, #tpu.memory_space<vmem>>
      %dma_wait3A_828 = tpu.memref_squeeze %dma_wait3A_827 : memref<1x128x128xf32, #tpu.memory_space<vmem>> -> memref<128x128xf32, #tpu.memory_space<vmem>>
      %dma_wait3A_829 = arith.constant 0 : i32
      %dma_wait3A_830 = arith.constant 0 : i32
      %dma_wait3A_831 = tpu.memref_slice %arg3[%dma_wait3A_829, %dma_wait3A_830] : memref<100000x128xf32, #tpu.memory_space<hbm>> -> memref<128x128xf32, #tpu.memory_space<hbm>>
      %dma_wait3A_832 = arith.constant 0 : i32
      %dma_wait3A_833 = arith.constant 0 : i32
      %dma_wait3A_834 = tpu.memref_slice %arg6[%dma_wait3A_824, %dma_wait3A_832, %dma_wait3A_833] : memref<5x128x128xf32, #tpu.memory_space<vmem>> -> memref<1x128x128xf32, #tpu.memory_space<vmem>>
      %dma_wait3A_835 = tpu.memref_squeeze %dma_wait3A_834 : memref<1x128x128xf32, #tpu.memory_space<vmem>> -> memref<128x128xf32, #tpu.memory_space<vmem>>
      %dma_wait3A_836 = arith.constant 0 : i32
      %dma_wait3A_837 = arith.constant 0 : i32
      %dma_wait3A_838 = tpu.memref_slice %arg3[%dma_wait3A_836, %dma_wait3A_837] : memref<100000x128xf32, #tpu.memory_space<hbm>> -> memref<128x128xf32, #tpu.memory_space<hbm>>
      tpu.wait_dma2 semaphore(%arg11 : memref<!tpu.dma_semaphore, #tpu.memory_space<semaphore_mem>>) src(%dma_wait3A_838 : memref<128x128xf32, #tpu.memory_space<hbm>>) dst(%dma_wait3A_835 : memref<128x128xf32, #tpu.memory_space<vmem>>)
      %mul3A_839 = arith.constant 128 : i32
      %mul3A_840 = arith.muli %add3A_819, %mul3A_839 : i32
      %add3A_841 = arith.addi %mul3A_2, %mul3A_840 : i32
      %dma_start3A_842 = arith.constant 4 : i32
      %dma_start3A_843 = arith.constant 0 : i32
      %dma_start3A_844 = arith.constant 0 : i32
      %dma_start3A_845 = tpu.memref_slice %arg6[%dma_start3A_842, %dma_start3A_843, %dma_start3A_844] : memref<5x128x128xf32, #tpu.memory_space<vmem>> -> memref<1x128x128xf32, #tpu.memory_space<vmem>>
      %dma_start3A_846 = tpu.memref_squeeze %dma_start3A_845 : memref<1x128x128xf32, #tpu.memory_space<vmem>> -> memref<128x128xf32, #tpu.memory_space<vmem>>
      %dma_start3A_847 = arith.constant 0 : i32
      %dma_start3A_848 = tpu.memref_slice %arg4[%add3A_841, %dma_start3A_847] : memref<819200x128xf32, #tpu.memory_space<hbm>> -> memref<128x128xf32, #tpu.memory_space<hbm>>
      %dma_start3A_849 = arith.constant 0 : i32
      %dma_start3A_850 = tpu.memref_slice %arg4[%add3A_841, %dma_start3A_849] : memref<819200x128xf32, #tpu.memory_space<hbm>> -> memref<128x128xf32, #tpu.memory_space<hbm>>
      %dma_start3A_851 = arith.constant 0 : i32
      %dma_start3A_852 = arith.constant 0 : i32
      %dma_start3A_853 = tpu.memref_slice %arg6[%dma_start3A_842, %dma_start3A_851, %dma_start3A_852] : memref<5x128x128xf32, #tpu.memory_space<vmem>> -> memref<1x128x128xf32, #tpu.memory_space<vmem>>
      %dma_start3A_854 = tpu.memref_squeeze %dma_start3A_853 : memref<1x128x128xf32, #tpu.memory_space<vmem>> -> memref<128x128xf32, #tpu.memory_space<vmem>>
      tpu.enqueue_dma source(%dma_start3A_854 : memref<128x128xf32, #tpu.memory_space<vmem>>) target(%dma_start3A_850 : memref<128x128xf32, #tpu.memory_space<hbm>>) target_semaphore(%arg16 : memref<!tpu.dma_semaphore, #tpu.memory_space<semaphore_mem>>)
      %dma_wait3A_855 = arith.constant 3 : i32
      %dma_wait3A_856 = arith.constant 0 : i32
      %dma_wait3A_857 = arith.constant 0 : i32
      %dma_wait3A_858 = tpu.memref_slice %arg6[%dma_wait3A_855, %dma_wait3A_856, %dma_wait3A_857] : memref<5x128x128xf32, #tpu.memory_space<vmem>> -> memref<1x128x128xf32, #tpu.memory_space<vmem>>
      %dma_wait3A_859 = tpu.memref_squeeze %dma_wait3A_858 : memref<1x128x128xf32, #tpu.memory_space<vmem>> -> memref<128x128xf32, #tpu.memory_space<vmem>>
      %dma_wait3A_860 = arith.constant 0 : i32
      %dma_wait3A_861 = arith.constant 0 : i32
      %dma_wait3A_862 = tpu.memref_slice %arg4[%dma_wait3A_860, %dma_wait3A_861] : memref<819200x128xf32, #tpu.memory_space<hbm>> -> memref<128x128xf32, #tpu.memory_space<hbm>>
      %dma_wait3A_863 = arith.constant 0 : i32
      %dma_wait3A_864 = arith.constant 0 : i32
      %dma_wait3A_865 = tpu.memref_slice %arg4[%dma_wait3A_863, %dma_wait3A_864] : memref<819200x128xf32, #tpu.memory_space<hbm>> -> memref<128x128xf32, #tpu.memory_space<hbm>>
      %dma_wait3A_866 = arith.constant 0 : i32
      %dma_wait3A_867 = arith.constant 0 : i32
      %dma_wait3A_868 = tpu.memref_slice %arg6[%dma_wait3A_855, %dma_wait3A_866, %dma_wait3A_867] : memref<5x128x128xf32, #tpu.memory_space<vmem>> -> memref<1x128x128xf32, #tpu.memory_space<vmem>>
      %dma_wait3A_869 = tpu.memref_squeeze %dma_wait3A_868 : memref<1x128x128xf32, #tpu.memory_space<vmem>> -> memref<128x128xf32, #tpu.memory_space<vmem>>
      tpu.wait_dma2 semaphore(%arg15 : memref<!tpu.dma_semaphore, #tpu.memory_space<semaphore_mem>>) src(%dma_wait3A_869 : memref<128x128xf32, #tpu.memory_space<vmem>>) dst(%dma_wait3A_865 : memref<128x128xf32, #tpu.memory_space<hbm>>)
      %mul3A_870 = arith.constant 128 : i32
      %mul3A_871 = arith.muli %sub3A_823, %mul3A_870 : i32
      %dma_start3A_872 = arith.constant 3 : i32
      %dma_start3A_873 = arith.constant 0 : i32
      %dma_start3A_874 = arith.constant 0 : i32
      %dma_start3A_875 = tpu.memref_slice %arg6[%dma_start3A_872, %dma_start3A_873, %dma_start3A_874] : memref<5x128x128xf32, #tpu.memory_space<vmem>> -> memref<1x128x128xf32, #tpu.memory_space<vmem>>
      %dma_start3A_876 = tpu.memref_squeeze %dma_start3A_875 : memref<1x128x128xf32, #tpu.memory_space<vmem>> -> memref<128x128xf32, #tpu.memory_space<vmem>>
      %dma_start3A_877 = tpu.memref_slice %arg5[%mul3A_871] : memref<25600xi32, #tpu.memory_space<vmem>> -> memref<128xi32, #tpu.memory_space<vmem>>
      %dma_start3A_878 = arith.constant 0 : i32
      %dma_start3A_879 = arith.constant 0 : i32
      %dma_start3A_880 = tpu.memref_slice %arg3[%dma_start3A_878, %dma_start3A_879] : memref<100000x128xf32, #tpu.memory_space<hbm>> -> memref<100000x128xf32, #tpu.memory_space<hbm>>
      tpu.enqueue_indirect_dma source(%dma_start3A_880 : memref<100000x128xf32, #tpu.memory_space<hbm>>) target(%dma_start3A_876 : memref<128x128xf32, #tpu.memory_space<vmem>>) offsets(%dma_start3A_877 : memref<128xi32, #tpu.memory_space<vmem>>) semaphore(%arg10 : memref<!tpu.dma_semaphore, #tpu.memory_space<semaphore_mem>>)
    }
    %scan3A_305 = arith.constant 38 : i32
    %dma_wait3A_306 = arith.constant 0 : i32
    %dma_wait3A_307 = arith.constant 0 : i32
    %dma_wait3A_308 = arith.constant 0 : i32
    %dma_wait3A_309 = tpu.memref_slice %arg6[%dma_wait3A_306, %dma_wait3A_307, %dma_wait3A_308] : memref<5x128x128xf32, #tpu.memory_space<vmem>> -> memref<1x128x128xf32, #tpu.memory_space<vmem>>
    %dma_wait3A_310 = tpu.memref_squeeze %dma_wait3A_309 : memref<1x128x128xf32, #tpu.memory_space<vmem>> -> memref<128x128xf32, #tpu.memory_space<vmem>>
    %dma_wait3A_311 = arith.constant 0 : i32
    %dma_wait3A_312 = arith.constant 0 : i32
    %dma_wait3A_313 = tpu.memref_slice %arg3[%dma_wait3A_311, %dma_wait3A_312] : memref<100000x128xf32, #tpu.memory_space<hbm>> -> memref<128x128xf32, #tpu.memory_space<hbm>>
    %dma_wait3A_314 = arith.constant 0 : i32
    %dma_wait3A_315 = arith.constant 0 : i32
    %dma_wait3A_316 = tpu.memref_slice %arg6[%dma_wait3A_306, %dma_wait3A_314, %dma_wait3A_315] : memref<5x128x128xf32, #tpu.memory_space<vmem>> -> memref<1x128x128xf32, #tpu.memory_space<vmem>>
    %dma_wait3A_317 = tpu.memref_squeeze %dma_wait3A_316 : memref<1x128x128xf32, #tpu.memory_space<vmem>> -> memref<128x128xf32, #tpu.memory_space<vmem>>
    %dma_wait3A_318 = arith.constant 0 : i32
    %dma_wait3A_319 = arith.constant 0 : i32
    %dma_wait3A_320 = tpu.memref_slice %arg3[%dma_wait3A_318, %dma_wait3A_319] : memref<100000x128xf32, #tpu.memory_space<hbm>> -> memref<128x128xf32, #tpu.memory_space<hbm>>
    tpu.wait_dma2 semaphore(%arg7 : memref<!tpu.dma_semaphore, #tpu.memory_space<semaphore_mem>>) src(%dma_wait3A_320 : memref<128x128xf32, #tpu.memory_space<hbm>>) dst(%dma_wait3A_317 : memref<128x128xf32, #tpu.memory_space<vmem>>)
    %add3A_321 = arith.constant 24960 : i32
    %add3A_322 = arith.addi %mul3A_2, %add3A_321 : i32
    %dma_start3A_323 = arith.constant 0 : i32
    %dma_start3A_324 = arith.constant 0 : i32
    %dma_start3A_325 = arith.constant 0 : i32
    %dma_start3A_326 = tpu.memref_slice %arg6[%dma_start3A_323, %dma_start3A_324, %dma_start3A_325] : memref<5x128x128xf32, #tpu.memory_space<vmem>> -> memref<1x128x128xf32, #tpu.memory_space<vmem>>
    %dma_start3A_327 = tpu.memref_squeeze %dma_start3A_326 : memref<1x128x128xf32, #tpu.memory_space<vmem>> -> memref<128x128xf32, #tpu.memory_space<vmem>>
    %dma_start3A_328 = arith.constant 0 : i32
    %dma_start3A_329 = tpu.memref_slice %arg4[%add3A_322, %dma_start3A_328] : memref<819200x128xf32, #tpu.memory_space<hbm>> -> memref<128x128xf32, #tpu.memory_space<hbm>>
    %dma_start3A_330 = arith.constant 0 : i32
    %dma_start3A_331 = tpu.memref_slice %arg4[%add3A_322, %dma_start3A_330] : memref<819200x128xf32, #tpu.memory_space<hbm>> -> memref<128x128xf32, #tpu.memory_space<hbm>>
    %dma_start3A_332 = arith.constant 0 : i32
    %dma_start3A_333 = arith.constant 0 : i32
    %dma_start3A_334 = tpu.memref_slice %arg6[%dma_start3A_323, %dma_start3A_332, %dma_start3A_333] : memref<5x128x128xf32, #tpu.memory_space<vmem>> -> memref<1x128x128xf32, #tpu.memory_space<vmem>>
    %dma_start3A_335 = tpu.memref_squeeze %dma_start3A_334 : memref<1x128x128xf32, #tpu.memory_space<vmem>> -> memref<128x128xf32, #tpu.memory_space<vmem>>
    tpu.enqueue_dma source(%dma_start3A_335 : memref<128x128xf32, #tpu.memory_space<vmem>>) target(%dma_start3A_331 : memref<128x128xf32, #tpu.memory_space<hbm>>) target_semaphore(%arg12 : memref<!tpu.dma_semaphore, #tpu.memory_space<semaphore_mem>>)
    %dma_wait3A_336 = arith.constant 4 : i32
    %dma_wait3A_337 = arith.constant 0 : i32
    %dma_wait3A_338 = arith.constant 0 : i32
    %dma_wait3A_339 = tpu.memref_slice %arg6[%dma_wait3A_336, %dma_wait3A_337, %dma_wait3A_338] : memref<5x128x128xf32, #tpu.memory_space<vmem>> -> memref<1x128x128xf32, #tpu.memory_space<vmem>>
    %dma_wait3A_340 = tpu.memref_squeeze %dma_wait3A_339 : memref<1x128x128xf32, #tpu.memory_space<vmem>> -> memref<128x128xf32, #tpu.memory_space<vmem>>
    %dma_wait3A_341 = arith.constant 0 : i32
    %dma_wait3A_342 = arith.constant 0 : i32
    %dma_wait3A_343 = tpu.memref_slice %arg4[%dma_wait3A_341, %dma_wait3A_342] : memref<819200x128xf32, #tpu.memory_space<hbm>> -> memref<128x128xf32, #tpu.memory_space<hbm>>
    %dma_wait3A_344 = arith.constant 0 : i32
    %dma_wait3A_345 = arith.constant 0 : i32
    %dma_wait3A_346 = tpu.memref_slice %arg4[%dma_wait3A_344, %dma_wait3A_345] : memref<819200x128xf32, #tpu.memory_space<hbm>> -> memref<128x128xf32, #tpu.memory_space<hbm>>
    %dma_wait3A_347 = arith.constant 0 : i32
    %dma_wait3A_348 = arith.constant 0 : i32
    %dma_wait3A_349 = tpu.memref_slice %arg6[%dma_wait3A_336, %dma_wait3A_347, %dma_wait3A_348] : memref<5x128x128xf32, #tpu.memory_space<vmem>> -> memref<1x128x128xf32, #tpu.memory_space<vmem>>
    %dma_wait3A_350 = tpu.memref_squeeze %dma_wait3A_349 : memref<1x128x128xf32, #tpu.memory_space<vmem>> -> memref<128x128xf32, #tpu.memory_space<vmem>>
    tpu.wait_dma2 semaphore(%arg16 : memref<!tpu.dma_semaphore, #tpu.memory_space<semaphore_mem>>) src(%dma_wait3A_350 : memref<128x128xf32, #tpu.memory_space<vmem>>) dst(%dma_wait3A_346 : memref<128x128xf32, #tpu.memory_space<hbm>>)
    %dma_start3A_351 = arith.constant 4 : i32
    %dma_start3A_352 = arith.constant 0 : i32
    %dma_start3A_353 = arith.constant 0 : i32
    %dma_start3A_354 = tpu.memref_slice %arg6[%dma_start3A_351, %dma_start3A_352, %dma_start3A_353] : memref<5x128x128xf32, #tpu.memory_space<vmem>> -> memref<1x128x128xf32, #tpu.memory_space<vmem>>
    %dma_start3A_355 = tpu.memref_squeeze %dma_start3A_354 : memref<1x128x128xf32, #tpu.memory_space<vmem>> -> memref<128x128xf32, #tpu.memory_space<vmem>>
    %dma_start3A_356 = arith.constant 25472 : i32
    %dma_start3A_357 = tpu.memref_slice %arg5[%dma_start3A_356] : memref<25600xi32, #tpu.memory_space<vmem>> -> memref<128xi32, #tpu.memory_space<vmem>>
    %dma_start3A_358 = arith.constant 0 : i32
    %dma_start3A_359 = arith.constant 0 : i32
    %dma_start3A_360 = tpu.memref_slice %arg3[%dma_start3A_358, %dma_start3A_359] : memref<100000x128xf32, #tpu.memory_space<hbm>> -> memref<100000x128xf32, #tpu.memory_space<hbm>>
    tpu.enqueue_indirect_dma source(%dma_start3A_360 : memref<100000x128xf32, #tpu.memory_space<hbm>>) target(%dma_start3A_355 : memref<128x128xf32, #tpu.memory_space<vmem>>) offsets(%dma_start3A_357 : memref<128xi32, #tpu.memory_space<vmem>>) semaphore(%arg11 : memref<!tpu.dma_semaphore, #tpu.memory_space<semaphore_mem>>)
    %dma_wait3A_361 = arith.constant 1 : i32
    %dma_wait3A_362 = arith.constant 0 : i32
    %dma_wait3A_363 = arith.constant 0 : i32
    %dma_wait3A_364 = tpu.memref_slice %arg6[%dma_wait3A_361, %dma_wait3A_362, %dma_wait3A_363] : memref<5x128x128xf32, #tpu.memory_space<vmem>> -> memref<1x128x128xf32, #tpu.memory_space<vmem>>
    %dma_wait3A_365 = tpu.memref_squeeze %dma_wait3A_364 : memref<1x128x128xf32, #tpu.memory_space<vmem>> -> memref<128x128xf32, #tpu.memory_space<vmem>>
    %dma_wait3A_366 = arith.constant 0 : i32
    %dma_wait3A_367 = arith.constant 0 : i32
    %dma_wait3A_368 = tpu.memref_slice %arg3[%dma_wait3A_366, %dma_wait3A_367] : memref<100000x128xf32, #tpu.memory_space<hbm>> -> memref<128x128xf32, #tpu.memory_space<hbm>>
    %dma_wait3A_369 = arith.constant 0 : i32
    %dma_wait3A_370 = arith.constant 0 : i32
    %dma_wait3A_371 = tpu.memref_slice %arg6[%dma_wait3A_361, %dma_wait3A_369, %dma_wait3A_370] : memref<5x128x128xf32, #tpu.memory_space<vmem>> -> memref<1x128x128xf32, #tpu.memory_space<vmem>>
    %dma_wait3A_372 = tpu.memref_squeeze %dma_wait3A_371 : memref<1x128x128xf32, #tpu.memory_space<vmem>> -> memref<128x128xf32, #tpu.memory_space<vmem>>
    %dma_wait3A_373 = arith.constant 0 : i32
    %dma_wait3A_374 = arith.constant 0 : i32
    %dma_wait3A_375 = tpu.memref_slice %arg3[%dma_wait3A_373, %dma_wait3A_374] : memref<100000x128xf32, #tpu.memory_space<hbm>> -> memref<128x128xf32, #tpu.memory_space<hbm>>
    tpu.wait_dma2 semaphore(%arg8 : memref<!tpu.dma_semaphore, #tpu.memory_space<semaphore_mem>>) src(%dma_wait3A_375 : memref<128x128xf32, #tpu.memory_space<hbm>>) dst(%dma_wait3A_372 : memref<128x128xf32, #tpu.memory_space<vmem>>)
    %add3A_376 = arith.constant 25088 : i32
    %add3A_377 = arith.addi %mul3A_2, %add3A_376 : i32
    %dma_start3A_378 = arith.constant 1 : i32
    %dma_start3A_379 = arith.constant 0 : i32
    %dma_start3A_380 = arith.constant 0 : i32
    %dma_start3A_381 = tpu.memref_slice %arg6[%dma_start3A_378, %dma_start3A_379, %dma_start3A_380] : memref<5x128x128xf32, #tpu.memory_space<vmem>> -> memref<1x128x128xf32, #tpu.memory_space<vmem>>
    %dma_start3A_382 = tpu.memref_squeeze %dma_start3A_381 : memref<1x128x128xf32, #tpu.memory_space<vmem>> -> memref<128x128xf32, #tpu.memory_space<vmem>>
    %dma_start3A_383 = arith.constant 0 : i32
    %dma_start3A_384 = tpu.memref_slice %arg4[%add3A_377, %dma_start3A_383] : memref<819200x128xf32, #tpu.memory_space<hbm>> -> memref<128x128xf32, #tpu.memory_space<hbm>>
    %dma_start3A_385 = arith.constant 0 : i32
    %dma_start3A_386 = tpu.memref_slice %arg4[%add3A_377, %dma_start3A_385] : memref<819200x128xf32, #tpu.memory_space<hbm>> -> memref<128x128xf32, #tpu.memory_space<hbm>>
    %dma_start3A_387 = arith.constant 0 : i32
    %dma_start3A_388 = arith.constant 0 : i32
    %dma_start3A_389 = tpu.memref_slice %arg6[%dma_start3A_378, %dma_start3A_387, %dma_start3A_388] : memref<5x128x128xf32, #tpu.memory_space<vmem>> -> memref<1x128x128xf32, #tpu.memory_space<vmem>>
    %dma_start3A_390 = tpu.memref_squeeze %dma_start3A_389 : memref<1x128x128xf32, #tpu.memory_space<vmem>> -> memref<128x128xf32, #tpu.memory_space<vmem>>
    tpu.enqueue_dma source(%dma_start3A_390 : memref<128x128xf32, #tpu.memory_space<vmem>>) target(%dma_start3A_386 : memref<128x128xf32, #tpu.memory_space<hbm>>) target_semaphore(%arg13 : memref<!tpu.dma_semaphore, #tpu.memory_space<semaphore_mem>>)
    %dma_wait3A_391 = arith.constant 2 : i32
    %dma_wait3A_392 = arith.constant 0 : i32
    %dma_wait3A_393 = arith.constant 0 : i32
    %dma_wait3A_394 = tpu.memref_slice %arg6[%dma_wait3A_391, %dma_wait3A_392, %dma_wait3A_393] : memref<5x128x128xf32, #tpu.memory_space<vmem>> -> memref<1x128x128xf32, #tpu.memory_space<vmem>>
    %dma_wait3A_395 = tpu.memref_squeeze %dma_wait3A_394 : memref<1x128x128xf32, #tpu.memory_space<vmem>> -> memref<128x128xf32, #tpu.memory_space<vmem>>
    %dma_wait3A_396 = arith.constant 0 : i32
    %dma_wait3A_397 = arith.constant 0 : i32
    %dma_wait3A_398 = tpu.memref_slice %arg3[%dma_wait3A_396, %dma_wait3A_397] : memref<100000x128xf32, #tpu.memory_space<hbm>> -> memref<128x128xf32, #tpu.memory_space<hbm>>
    %dma_wait3A_399 = arith.constant 0 : i32
    %dma_wait3A_400 = arith.constant 0 : i32
    %dma_wait3A_401 = tpu.memref_slice %arg6[%dma_wait3A_391, %dma_wait3A_399, %dma_wait3A_400] : memref<5x128x128xf32, #tpu.memory_space<vmem>> -> memref<1x128x128xf32, #tpu.memory_space<vmem>>
    %dma_wait3A_402 = tpu.memref_squeeze %dma_wait3A_401 : memref<1x128x128xf32, #tpu.memory_space<vmem>> -> memref<128x128xf32, #tpu.memory_space<vmem>>
    %dma_wait3A_403 = arith.constant 0 : i32
    %dma_wait3A_404 = arith.constant 0 : i32
    %dma_wait3A_405 = tpu.memref_slice %arg3[%dma_wait3A_403, %dma_wait3A_404] : memref<100000x128xf32, #tpu.memory_space<hbm>> -> memref<128x128xf32, #tpu.memory_space<hbm>>
    tpu.wait_dma2 semaphore(%arg9 : memref<!tpu.dma_semaphore, #tpu.memory_space<semaphore_mem>>) src(%dma_wait3A_405 : memref<128x128xf32, #tpu.memory_space<hbm>>) dst(%dma_wait3A_402 : memref<128x128xf32, #tpu.memory_space<vmem>>)
    %add3A_406 = arith.constant 25216 : i32
    %add3A_407 = arith.addi %mul3A_2, %add3A_406 : i32
    %dma_start3A_408 = arith.constant 2 : i32
    %dma_start3A_409 = arith.constant 0 : i32
    %dma_start3A_410 = arith.constant 0 : i32
    %dma_start3A_411 = tpu.memref_slice %arg6[%dma_start3A_408, %dma_start3A_409, %dma_start3A_410] : memref<5x128x128xf32, #tpu.memory_space<vmem>> -> memref<1x128x128xf32, #tpu.memory_space<vmem>>
    %dma_start3A_412 = tpu.memref_squeeze %dma_start3A_411 : memref<1x128x128xf32, #tpu.memory_space<vmem>> -> memref<128x128xf32, #tpu.memory_space<vmem>>
    %dma_start3A_413 = arith.constant 0 : i32
    %dma_start3A_414 = tpu.memref_slice %arg4[%add3A_407, %dma_start3A_413] : memref<819200x128xf32, #tpu.memory_space<hbm>> -> memref<128x128xf32, #tpu.memory_space<hbm>>
    %dma_start3A_415 = arith.constant 0 : i32
    %dma_start3A_416 = tpu.memref_slice %arg4[%add3A_407, %dma_start3A_415] : memref<819200x128xf32, #tpu.memory_space<hbm>> -> memref<128x128xf32, #tpu.memory_space<hbm>>
    %dma_start3A_417 = arith.constant 0 : i32
    %dma_start3A_418 = arith.constant 0 : i32
    %dma_start3A_419 = tpu.memref_slice %arg6[%dma_start3A_408, %dma_start3A_417, %dma_start3A_418] : memref<5x128x128xf32, #tpu.memory_space<vmem>> -> memref<1x128x128xf32, #tpu.memory_space<vmem>>
    %dma_start3A_420 = tpu.memref_squeeze %dma_start3A_419 : memref<1x128x128xf32, #tpu.memory_space<vmem>> -> memref<128x128xf32, #tpu.memory_space<vmem>>
    tpu.enqueue_dma source(%dma_start3A_420 : memref<128x128xf32, #tpu.memory_space<vmem>>) target(%dma_start3A_416 : memref<128x128xf32, #tpu.memory_space<hbm>>) target_semaphore(%arg14 : memref<!tpu.dma_semaphore, #tpu.memory_space<semaphore_mem>>)
    %dma_wait3A_421 = arith.constant 3 : i32
    %dma_wait3A_422 = arith.constant 0 : i32
    %dma_wait3A_423 = arith.constant 0 : i32
    %dma_wait3A_424 = tpu.memref_slice %arg6[%dma_wait3A_421, %dma_wait3A_422, %dma_wait3A_423] : memref<5x128x128xf32, #tpu.memory_space<vmem>> -> memref<1x128x128xf32, #tpu.memory_space<vmem>>
    %dma_wait3A_425 = tpu.memref_squeeze %dma_wait3A_424 : memref<1x128x128xf32, #tpu.memory_space<vmem>> -> memref<128x128xf32, #tpu.memory_space<vmem>>
    %dma_wait3A_426 = arith.constant 0 : i32
    %dma_wait3A_427 = arith.constant 0 : i32
    %dma_wait3A_428 = tpu.memref_slice %arg3[%dma_wait3A_426, %dma_wait3A_427] : memref<100000x128xf32, #tpu.memory_space<hbm>> -> memref<128x128xf32, #tpu.memory_space<hbm>>
    %dma_wait3A_429 = arith.constant 0 : i32
    %dma_wait3A_430 = arith.constant 0 : i32
    %dma_wait3A_431 = tpu.memref_slice %arg6[%dma_wait3A_421, %dma_wait3A_429, %dma_wait3A_430] : memref<5x128x128xf32, #tpu.memory_space<vmem>> -> memref<1x128x128xf32, #tpu.memory_space<vmem>>
    %dma_wait3A_432 = tpu.memref_squeeze %dma_wait3A_431 : memref<1x128x128xf32, #tpu.memory_space<vmem>> -> memref<128x128xf32, #tpu.memory_space<vmem>>
    %dma_wait3A_433 = arith.constant 0 : i32
    %dma_wait3A_434 = arith.constant 0 : i32
    %dma_wait3A_435 = tpu.memref_slice %arg3[%dma_wait3A_433, %dma_wait3A_434] : memref<100000x128xf32, #tpu.memory_space<hbm>> -> memref<128x128xf32, #tpu.memory_space<hbm>>
    tpu.wait_dma2 semaphore(%arg10 : memref<!tpu.dma_semaphore, #tpu.memory_space<semaphore_mem>>) src(%dma_wait3A_435 : memref<128x128xf32, #tpu.memory_space<hbm>>) dst(%dma_wait3A_432 : memref<128x128xf32, #tpu.memory_space<vmem>>)
    %add3A_436 = arith.constant 25344 : i32
    %add3A_437 = arith.addi %mul3A_2, %add3A_436 : i32
    %dma_start3A_438 = arith.constant 3 : i32
    %dma_start3A_439 = arith.constant 0 : i32
    %dma_start3A_440 = arith.constant 0 : i32
    %dma_start3A_441 = tpu.memref_slice %arg6[%dma_start3A_438, %dma_start3A_439, %dma_start3A_440] : memref<5x128x128xf32, #tpu.memory_space<vmem>> -> memref<1x128x128xf32, #tpu.memory_space<vmem>>
    %dma_start3A_442 = tpu.memref_squeeze %dma_start3A_441 : memref<1x128x128xf32, #tpu.memory_space<vmem>> -> memref<128x128xf32, #tpu.memory_space<vmem>>
    %dma_start3A_443 = arith.constant 0 : i32
    %dma_start3A_444 = tpu.memref_slice %arg4[%add3A_437, %dma_start3A_443] : memref<819200x128xf32, #tpu.memory_space<hbm>> -> memref<128x128xf32, #tpu.memory_space<hbm>>
    %dma_start3A_445 = arith.constant 0 : i32
    %dma_start3A_446 = tpu.memref_slice %arg4[%add3A_437, %dma_start3A_445] : memref<819200x128xf32, #tpu.memory_space<hbm>> -> memref<128x128xf32, #tpu.memory_space<hbm>>
    %dma_start3A_447 = arith.constant 0 : i32
    %dma_start3A_448 = arith.constant 0 : i32
    %dma_start3A_449 = tpu.memref_slice %arg6[%dma_start3A_438, %dma_start3A_447, %dma_start3A_448] : memref<5x128x128xf32, #tpu.memory_space<vmem>> -> memref<1x128x128xf32, #tpu.memory_space<vmem>>
    %dma_start3A_450 = tpu.memref_squeeze %dma_start3A_449 : memref<1x128x128xf32, #tpu.memory_space<vmem>> -> memref<128x128xf32, #tpu.memory_space<vmem>>
    tpu.enqueue_dma source(%dma_start3A_450 : memref<128x128xf32, #tpu.memory_space<vmem>>) target(%dma_start3A_446 : memref<128x128xf32, #tpu.memory_space<hbm>>) target_semaphore(%arg15 : memref<!tpu.dma_semaphore, #tpu.memory_space<semaphore_mem>>)
    %dma_wait3A_451 = arith.constant 4 : i32
    %dma_wait3A_452 = arith.constant 0 : i32
    %dma_wait3A_453 = arith.constant 0 : i32
    %dma_wait3A_454 = tpu.memref_slice %arg6[%dma_wait3A_451, %dma_wait3A_452, %dma_wait3A_453] : memref<5x128x128xf32, #tpu.memory_space<vmem>> -> memref<1x128x128xf32, #tpu.memory_space<vmem>>
    %dma_wait3A_455 = tpu.memref_squeeze %dma_wait3A_454 : memref<1x128x128xf32, #tpu.memory_space<vmem>> -> memref<128x128xf32, #tpu.memory_space<vmem>>
    %dma_wait3A_456 = arith.constant 0 : i32
    %dma_wait3A_457 = arith.constant 0 : i32
    %dma_wait3A_458 = tpu.memref_slice %arg3[%dma_wait3A_456, %dma_wait3A_457] : memref<100000x128xf32, #tpu.memory_space<hbm>> -> memref<128x128xf32, #tpu.memory_space<hbm>>
    %dma_wait3A_459 = arith.constant 0 : i32
    %dma_wait3A_460 = arith.constant 0 : i32
    %dma_wait3A_461 = tpu.memref_slice %arg6[%dma_wait3A_451, %dma_wait3A_459, %dma_wait3A_460] : memref<5x128x128xf32, #tpu.memory_space<vmem>> -> memref<1x128x128xf32, #tpu.memory_space<vmem>>
    %dma_wait3A_462 = tpu.memref_squeeze %dma_wait3A_461 : memref<1x128x128xf32, #tpu.memory_space<vmem>> -> memref<128x128xf32, #tpu.memory_space<vmem>>
    %dma_wait3A_463 = arith.constant 0 : i32
    %dma_wait3A_464 = arith.constant 0 : i32
    %dma_wait3A_465 = tpu.memref_slice %arg3[%dma_wait3A_463, %dma_wait3A_464] : memref<100000x128xf32, #tpu.memory_space<hbm>> -> memref<128x128xf32, #tpu.memory_space<hbm>>
    tpu.wait_dma2 semaphore(%arg11 : memref<!tpu.dma_semaphore, #tpu.memory_space<semaphore_mem>>) src(%dma_wait3A_465 : memref<128x128xf32, #tpu.memory_space<hbm>>) dst(%dma_wait3A_462 : memref<128x128xf32, #tpu.memory_space<vmem>>)
    %add3A_466 = arith.constant 25472 : i32
    %add3A_467 = arith.addi %mul3A_2, %add3A_466 : i32
    %dma_start3A_468 = arith.constant 4 : i32
    %dma_start3A_469 = arith.constant 0 : i32
    %dma_start3A_470 = arith.constant 0 : i32
    %dma_start3A_471 = tpu.memref_slice %arg6[%dma_start3A_468, %dma_start3A_469, %dma_start3A_470] : memref<5x128x128xf32, #tpu.memory_space<vmem>> -> memref<1x128x128xf32, #tpu.memory_space<vmem>>
    %dma_start3A_472 = tpu.memref_squeeze %dma_start3A_471 : memref<1x128x128xf32, #tpu.memory_space<vmem>> -> memref<128x128xf32, #tpu.memory_space<vmem>>
    %dma_start3A_473 = arith.constant 0 : i32
    %dma_start3A_474 = tpu.memref_slice %arg4[%add3A_467, %dma_start3A_473] : memref<819200x128xf32, #tpu.memory_space<hbm>> -> memref<128x128xf32, #tpu.memory_space<hbm>>
    %dma_start3A_475 = arith.constant 0 : i32
    %dma_start3A_476 = tpu.memref_slice %arg4[%add3A_467, %dma_start3A_475] : memref<819200x128xf32, #tpu.memory_space<hbm>> -> memref<128x128xf32, #tpu.memory_space<hbm>>
    %dma_start3A_477 = arith.constant 0 : i32
    %dma_start3A_478 = arith.constant 0 : i32
    %dma_start3A_479 = tpu.memref_slice %arg6[%dma_start3A_468, %dma_start3A_477, %dma_start3A_478] : memref<5x128x128xf32, #tpu.memory_space<vmem>> -> memref<1x128x128xf32, #tpu.memory_space<vmem>>
    %dma_start3A_480 = tpu.memref_squeeze %dma_start3A_479 : memref<1x128x128xf32, #tpu.memory_space<vmem>> -> memref<128x128xf32, #tpu.memory_space<vmem>>
    tpu.enqueue_dma source(%dma_start3A_480 : memref<128x128xf32, #tpu.memory_space<vmem>>) target(%dma_start3A_476 : memref<128x128xf32, #tpu.memory_space<hbm>>) target_semaphore(%arg16 : memref<!tpu.dma_semaphore, #tpu.memory_space<semaphore_mem>>)
    %dma_wait3A_481 = arith.constant 0 : i32
    %dma_wait3A_482 = arith.constant 0 : i32
    %dma_wait3A_483 = arith.constant 0 : i32
    %dma_wait3A_484 = tpu.memref_slice %arg6[%dma_wait3A_481, %dma_wait3A_482, %dma_wait3A_483] : memref<5x128x128xf32, #tpu.memory_space<vmem>> -> memref<1x128x128xf32, #tpu.memory_space<vmem>>
    %dma_wait3A_485 = tpu.memref_squeeze %dma_wait3A_484 : memref<1x128x128xf32, #tpu.memory_space<vmem>> -> memref<128x128xf32, #tpu.memory_space<vmem>>
    %dma_wait3A_486 = arith.constant 0 : i32
    %dma_wait3A_487 = arith.constant 0 : i32
    %dma_wait3A_488 = tpu.memref_slice %arg4[%dma_wait3A_486, %dma_wait3A_487] : memref<819200x128xf32, #tpu.memory_space<hbm>> -> memref<128x128xf32, #tpu.memory_space<hbm>>
    %dma_wait3A_489 = arith.constant 0 : i32
    %dma_wait3A_490 = arith.constant 0 : i32
    %dma_wait3A_491 = tpu.memref_slice %arg4[%dma_wait3A_489, %dma_wait3A_490] : memref<819200x128xf32, #tpu.memory_space<hbm>> -> memref<128x128xf32, #tpu.memory_space<hbm>>
    %dma_wait3A_492 = arith.constant 0 : i32
    %dma_wait3A_493 = arith.constant 0 : i32
    %dma_wait3A_494 = tpu.memref_slice %arg6[%dma_wait3A_481, %dma_wait3A_492, %dma_wait3A_493] : memref<5x128x128xf32, #tpu.memory_space<vmem>> -> memref<1x128x128xf32, #tpu.memory_space<vmem>>
    %dma_wait3A_495 = tpu.memref_squeeze %dma_wait3A_494 : memref<1x128x128xf32, #tpu.memory_space<vmem>> -> memref<128x128xf32, #tpu.memory_space<vmem>>
    tpu.wait_dma2 semaphore(%arg12 : memref<!tpu.dma_semaphore, #tpu.memory_space<semaphore_mem>>) src(%dma_wait3A_495 : memref<128x128xf32, #tpu.memory_space<vmem>>) dst(%dma_wait3A_491 : memref<128x128xf32, #tpu.memory_space<hbm>>)
    %dma_wait3A_496 = arith.constant 1 : i32
    %dma_wait3A_497 = arith.constant 0 : i32
    %dma_wait3A_498 = arith.constant 0 : i32
    %dma_wait3A_499 = tpu.memref_slice %arg6[%dma_wait3A_496, %dma_wait3A_497, %dma_wait3A_498] : memref<5x128x128xf32, #tpu.memory_space<vmem>> -> memref<1x128x128xf32, #tpu.memory_space<vmem>>
    %dma_wait3A_500 = tpu.memref_squeeze %dma_wait3A_499 : memref<1x128x128xf32, #tpu.memory_space<vmem>> -> memref<128x128xf32, #tpu.memory_space<vmem>>
    %dma_wait3A_501 = arith.constant 0 : i32
    %dma_wait3A_502 = arith.constant 0 : i32
    %dma_wait3A_503 = tpu.memref_slice %arg4[%dma_wait3A_501, %dma_wait3A_502] : memref<819200x128xf32, #tpu.memory_space<hbm>> -> memref<128x128xf32, #tpu.memory_space<hbm>>
    %dma_wait3A_504 = arith.constant 0 : i32
    %dma_wait3A_505 = arith.constant 0 : i32
    %dma_wait3A_506 = tpu.memref_slice %arg4[%dma_wait3A_504, %dma_wait3A_505] : memref<819200x128xf32, #tpu.memory_space<hbm>> -> memref<128x128xf32, #tpu.memory_space<hbm>>
    %dma_wait3A_507 = arith.constant 0 : i32
    %dma_wait3A_508 = arith.constant 0 : i32
    %dma_wait3A_509 = tpu.memref_slice %arg6[%dma_wait3A_496, %dma_wait3A_507, %dma_wait3A_508] : memref<5x128x128xf32, #tpu.memory_space<vmem>> -> memref<1x128x128xf32, #tpu.memory_space<vmem>>
    %dma_wait3A_510 = tpu.memref_squeeze %dma_wait3A_509 : memref<1x128x128xf32, #tpu.memory_space<vmem>> -> memref<128x128xf32, #tpu.memory_space<vmem>>
    tpu.wait_dma2 semaphore(%arg13 : memref<!tpu.dma_semaphore, #tpu.memory_space<semaphore_mem>>) src(%dma_wait3A_510 : memref<128x128xf32, #tpu.memory_space<vmem>>) dst(%dma_wait3A_506 : memref<128x128xf32, #tpu.memory_space<hbm>>)
    %dma_wait3A_511 = arith.constant 2 : i32
    %dma_wait3A_512 = arith.constant 0 : i32
    %dma_wait3A_513 = arith.constant 0 : i32
    %dma_wait3A_514 = tpu.memref_slice %arg6[%dma_wait3A_511, %dma_wait3A_512, %dma_wait3A_513] : memref<5x128x128xf32, #tpu.memory_space<vmem>> -> memref<1x128x128xf32, #tpu.memory_space<vmem>>
    %dma_wait3A_515 = tpu.memref_squeeze %dma_wait3A_514 : memref<1x128x128xf32, #tpu.memory_space<vmem>> -> memref<128x128xf32, #tpu.memory_space<vmem>>
    %dma_wait3A_516 = arith.constant 0 : i32
    %dma_wait3A_517 = arith.constant 0 : i32
    %dma_wait3A_518 = tpu.memref_slice %arg4[%dma_wait3A_516, %dma_wait3A_517] : memref<819200x128xf32, #tpu.memory_space<hbm>> -> memref<128x128xf32, #tpu.memory_space<hbm>>
    %dma_wait3A_519 = arith.constant 0 : i32
    %dma_wait3A_520 = arith.constant 0 : i32
    %dma_wait3A_521 = tpu.memref_slice %arg4[%dma_wait3A_519, %dma_wait3A_520] : memref<819200x128xf32, #tpu.memory_space<hbm>> -> memref<128x128xf32, #tpu.memory_space<hbm>>
    %dma_wait3A_522 = arith.constant 0 : i32
    %dma_wait3A_523 = arith.constant 0 : i32
    %dma_wait3A_524 = tpu.memref_slice %arg6[%dma_wait3A_511, %dma_wait3A_522, %dma_wait3A_523] : memref<5x128x128xf32, #tpu.memory_space<vmem>> -> memref<1x128x128xf32, #tpu.memory_space<vmem>>
    %dma_wait3A_525 = tpu.memref_squeeze %dma_wait3A_524 : memref<1x128x128xf32, #tpu.memory_space<vmem>> -> memref<128x128xf32, #tpu.memory_space<vmem>>
    tpu.wait_dma2 semaphore(%arg14 : memref<!tpu.dma_semaphore, #tpu.memory_space<semaphore_mem>>) src(%dma_wait3A_525 : memref<128x128xf32, #tpu.memory_space<vmem>>) dst(%dma_wait3A_521 : memref<128x128xf32, #tpu.memory_space<hbm>>)
    %dma_wait3A_526 = arith.constant 3 : i32
    %dma_wait3A_527 = arith.constant 0 : i32
    %dma_wait3A_528 = arith.constant 0 : i32
    %dma_wait3A_529 = tpu.memref_slice %arg6[%dma_wait3A_526, %dma_wait3A_527, %dma_wait3A_528] : memref<5x128x128xf32, #tpu.memory_space<vmem>> -> memref<1x128x128xf32, #tpu.memory_space<vmem>>
    %dma_wait3A_530 = tpu.memref_squeeze %dma_wait3A_529 : memref<1x128x128xf32, #tpu.memory_space<vmem>> -> memref<128x128xf32, #tpu.memory_space<vmem>>
    %dma_wait3A_531 = arith.constant 0 : i32
    %dma_wait3A_532 = arith.constant 0 : i32
    %dma_wait3A_533 = tpu.memref_slice %arg4[%dma_wait3A_531, %dma_wait3A_532] : memref<819200x128xf32, #tpu.memory_space<hbm>> -> memref<128x128xf32, #tpu.memory_space<hbm>>
    %dma_wait3A_534 = arith.constant 0 : i32
    %dma_wait3A_535 = arith.constant 0 : i32
    %dma_wait3A_536 = tpu.memref_slice %arg4[%dma_wait3A_534, %dma_wait3A_535] : memref<819200x128xf32, #tpu.memory_space<hbm>> -> memref<128x128xf32, #tpu.memory_space<hbm>>
    %dma_wait3A_537 = arith.constant 0 : i32
    %dma_wait3A_538 = arith.constant 0 : i32
    %dma_wait3A_539 = tpu.memref_slice %arg6[%dma_wait3A_526, %dma_wait3A_537, %dma_wait3A_538] : memref<5x128x128xf32, #tpu.memory_space<vmem>> -> memref<1x128x128xf32, #tpu.memory_space<vmem>>
    %dma_wait3A_540 = tpu.memref_squeeze %dma_wait3A_539 : memref<1x128x128xf32, #tpu.memory_space<vmem>> -> memref<128x128xf32, #tpu.memory_space<vmem>>
    tpu.wait_dma2 semaphore(%arg15 : memref<!tpu.dma_semaphore, #tpu.memory_space<semaphore_mem>>) src(%dma_wait3A_540 : memref<128x128xf32, #tpu.memory_space<vmem>>) dst(%dma_wait3A_536 : memref<128x128xf32, #tpu.memory_space<hbm>>)
    %dma_wait3A_541 = arith.constant 4 : i32
    %dma_wait3A_542 = arith.constant 0 : i32
    %dma_wait3A_543 = arith.constant 0 : i32
    %dma_wait3A_544 = tpu.memref_slice %arg6[%dma_wait3A_541, %dma_wait3A_542, %dma_wait3A_543] : memref<5x128x128xf32, #tpu.memory_space<vmem>> -> memref<1x128x128xf32, #tpu.memory_space<vmem>>
    %dma_wait3A_545 = tpu.memref_squeeze %dma_wait3A_544 : memref<1x128x128xf32, #tpu.memory_space<vmem>> -> memref<128x128xf32, #tpu.memory_space<vmem>>
    %dma_wait3A_546 = arith.constant 0 : i32
    %dma_wait3A_547 = arith.constant 0 : i32
    %dma_wait3A_548 = tpu.memref_slice %arg4[%dma_wait3A_546, %dma_wait3A_547] : memref<819200x128xf32, #tpu.memory_space<hbm>> -> memref<128x128xf32, #tpu.memory_space<hbm>>
    %dma_wait3A_549 = arith.constant 0 : i32
    %dma_wait3A_550 = arith.constant 0 : i32
    %dma_wait3A_551 = tpu.memref_slice %arg4[%dma_wait3A_549, %dma_wait3A_550] : memref<819200x128xf32, #tpu.memory_space<hbm>> -> memref<128x128xf32, #tpu.memory_space<hbm>>
    %dma_wait3A_552 = arith.constant 0 : i32
    %dma_wait3A_553 = arith.constant 0 : i32
    %dma_wait3A_554 = tpu.memref_slice %arg6[%dma_wait3A_541, %dma_wait3A_552, %dma_wait3A_553] : memref<5x128x128xf32, #tpu.memory_space<vmem>> -> memref<1x128x128xf32, #tpu.memory_space<vmem>>
    %dma_wait3A_555 = tpu.memref_squeeze %dma_wait3A_554 : memref<1x128x128xf32, #tpu.memory_space<vmem>> -> memref<128x128xf32, #tpu.memory_space<vmem>>
    tpu.wait_dma2 semaphore(%arg16 : memref<!tpu.dma_semaphore, #tpu.memory_space<semaphore_mem>>) src(%dma_wait3A_555 : memref<128x128xf32, #tpu.memory_space<vmem>>) dst(%dma_wait3A_551 : memref<128x128xf32, #tpu.memory_space<hbm>>)
    return
  }
}

</mosaic_0001>

<sc_bundles>
// kernel: kernel.3.cloned.1.call-start
scs
__scs_entry_jumppad:
0x0: {  	(pc) =	sbr.rel $0x88, $3  }
0x1: {  	(tag) =	ssettag $0x0;
	lr =	simm.s32 $0x1  }
0x2: {  	[smem:$0x3F9F] =	sst lr;
	_ =	strace $0xD0000000  }
0x3: {  	_ = 	snop  }
0x4: {  	_ = 	snop  }
0x5: {  	_ = 	snop  }
0x6: {  	_ = 	snop  }
0x7: {  	_ = 	snop  }
__scs_overlays_trampoline_lowered:
0x8: {  	[smem:$0x3FAE] =	sst s0  }
0x9: {  	[smem:$0x3FAF] =	sst s1  }
0xa: {  	[smem:$0x3FB0] =	sst s2  }
0xb: {  	[smem:$0x3FB1] =	sst s3  }
0xc: {  	[smem:$0x3FB2] =	sst s4  }
0xd: {  	[smem:$0x3FB3] =	sst s5  }
0xe: {  	[smem:$0x3FB4] =	sst s6  }
0xf: {  	[smem:$0x3FB5] =	sst s7  }
0x10: {  	[smem:$0x3FB6] =	sst s8  }
0x11: {  	[smem:$0x3FB7] =	sst s9;
	s0 =	simm.s32 @!p0 $0x0  }
0x12: {  	s1 =	sld [smem:$0x3F9D];
	s0 =	simm.s32 @p0 $0x1  }
0x13: {  	[smem:$0x3FB8] =	sst s0;
	s0 =	simm.s32 @!p1 $0x0  }
0x14: {  	s2 =	sld [smem:$0x3F9C];
	s0 =	simm.s32 @p1 $0x1  }
0x15: {  	[smem:$0x3FB9] =	sst s0;
	s0 =	simm.s32 @!p2 $0x0  }
0x16: {  	s3 =	sld [smem:$0x3FDB];
	s0 =	simm.s32 @p2 $0x1  }
0x17: {  	s4 =	simm.s32 $0x1BF5;
	[smem:$0x3FBB] =	sst s0  }
0x18: {  	s0 =	sld [smem:$0x3F9E];
	_ =	swait.ge [sflag:s4], $0x0  }
0x19: {  	s7 =	sld [smem:$0x3F9F]  }
0x1a: {  	s8 =	sadd.s32 $0xFFFFE003, lr  }
0x1b: {  	s9 =	sadd.s32 $0xFFFFFEF7, lr;
	s5 =	simm.s32 $0xFFFFFFFF;
	p2 =	slt.u32 s8, $0xFFFFF086  }
0x1c: {  	p1 =	slt.u32 s9, $0xF7A;
	s5 =	simm.s32 @!p2 $0x0  }
0x1d: {  	s5 =	simm.s32 @p1 $0x1;
	p0 =	seq.s32 s7, s2  }
0x1e: {  	s7 =	smul.u32 @!p0 $0xF7A, s2;
	p2 =	seq.s32 @!p0 s5, $0x0  }
0x1f: {  	s9 =	smul.u32 $0xF7A, s1;
	s8 =	simm.s32 @!p0 $0x1BF5;
	p2 =	por !p2, p0  }
0x20: {  	[sflag:s8] =	ssyncset.s32 @!p0 $0xFFFFF086;
	s6 =	sadd.s32 @!p0 s3, s7;
	s7 =	simm.s32 @!p0 $0x108  }
0x21: {  	s3 =	sadd.s32 s3, s9;
	s6 =	sadd.s32 @!p0 $0x88, s6;
	s7 =	simm.s32 @p2 $0x1082  }
0x22: {  	[simem:s7], [sflag:s8] =	dma.local @!p0 [hbm:s6], $0xF7A  }
0x23: {  	s9 =	sor.u32 $0xD0000000, s2;
	s6 =	simm.s32 $0x108;
	_ =	swait.ge @!p0 [sflag:s8], $0x0  }
0x24: {  	s3 =	sadd.s32 $0x88, s3;
	s6 =	simm.s32 @!p1 $0x1082;
	[sflag:s4] =	ssyncset.s32 $0xFFFFF086  }
0x25: {  	[simem:s6], [sflag:s4] =	dma.local [hbm:s3], $0xF7A  }
0x26: {  	[smem:$0x3F9F] =	sst s1;
	(tag) =	ssettag s2;
	_ =	strace s9  }
0x27: {  	s1 =	sld [smem:$0x3FAF]  }
0x28: {  	s2 =	sld [smem:$0x3FB0]  }
0x29: {  	s4 =	sld [smem:$0x3FB2]  }
0x2a: {  	p0 =	seq.s32 s5, $0x0;
	s5 =	sld [smem:$0x3FB3]  }
0x2b: {  	s6 =	sld [smem:$0x3FB4]  }
0x2c: {  	s7 =	sld [smem:$0x3FB5]  }
0x2d: {  	s3 =	simm.s32 $0x108;
	s8 =	sld [smem:$0x3FB6]  }
0x2e: {  	s3 =	simm.s32 @!p0 $0x1082;
	s9 =	sld [smem:$0x3FB7]  }
0x2f: {  	lr =	sadd.s32 s0, s3;
	s0 =	sld [smem:$0x3FAE]  }
0x30: {  	s3 =	sld [smem:$0x3FB1]  }
0x31: {  	[smem:$0x3FBA] =	sst s10  }
0x32: {  	s10 =	sld [smem:$0x3FB8];
	_ =	sdelay $0x3  }
0x33: {  	p0 =	seq.s32 s10, $0x1;
	s10 =	sld [smem:$0x3FBA];
	_ =	sdelay $0x3  }
0x34: {  	[smem:$0x3FBA] =	sst s10  }
0x35: {  	s10 =	sld [smem:$0x3FB9];
	_ =	sdelay $0x3  }
0x36: {  	p1 =	seq.s32 s10, $0x1;
	s10 =	sld [smem:$0x3FBA];
	_ =	sdelay $0x3  }
0x37: {  	[smem:$0x3FBA] =	sst s10  }
0x38: {  	s10 =	sld [smem:$0x3FBB]  }
0x39: {  	_ = 	snop;
	(pc) =	sbr.ind lr, $3  }
0x3a: {  	_ = 	snop  }
0x3b: {  	_ = 	snop  }
0x3c: {  	p2 =	seq.s32 s10, $0x1;
	s10 =	sld [smem:$0x3FBA]  }
0x3d: {  	_ =	shalt  }
0x3e: {  	_ =	shalt  }
0x3f: {  	_ =	shalt  }
0x40: {  	_ =	shalt  }
0x41: {  	_ =	shalt  }
0x42: {  	_ =	shalt  }
0x43: {  	_ =	shalt  }
0x44: {  	_ =	shalt  }
0x45: {  	_ =	shalt  }
0x46: {  	_ =	shalt  }
0x47: {  	_ =	shalt  }
0x48: {  	_ =	shalt  }
0x49: {  	_ =	shalt  }
0x4a: {  	_ =	shalt  }
0x4b: {  	_ =	shalt  }
0x4c: {  	_ =	shalt  }
0x4d: {  	_ =	shalt  }
0x4e: {  	_ =	shalt  }
0x4f: {  	_ =	shalt  }
0x50: {  	_ =	shalt  }
0x51: {  	_ =	shalt  }
0x52: {  	_ =	shalt  }
0x53: {  	_ =	shalt  }
0x54: {  	_ =	shalt  }
0x55: {  	_ =	shalt  }
0x56: {  	_ =	shalt  }
0x57: {  	_ =	shalt  }
0x58: {  	_ =	shalt  }
0x59: {  	_ =	shalt  }
0x5a: {  	_ =	shalt  }
0x5b: {  	_ =	shalt  }
0x5c: {  	_ =	shalt  }
0x5d: {  	_ =	shalt  }
0x5e: {  	_ =	shalt  }
0x5f: {  	_ =	shalt  }
0x60: {  	_ =	shalt  }
0x61: {  	_ =	shalt  }
0x62: {  	_ =	shalt  }
0x63: {  	_ =	shalt  }
0x64: {  	_ =	shalt  }
0x65: {  	_ =	shalt  }
0x66: {  	_ =	shalt  }
0x67: {  	_ =	shalt  }
0x68: {  	_ =	shalt  }
0x69: {  	_ =	shalt  }
0x6a: {  	_ =	shalt  }
0x6b: {  	_ =	shalt  }
0x6c: {  	_ =	shalt  }
0x6d: {  	_ =	shalt  }
0x6e: {  	_ =	shalt  }
0x6f: {  	_ =	shalt  }
0x70: {  	_ =	shalt  }
0x71: {  	_ =	shalt  }
0x72: {  	_ =	shalt  }
0x73: {  	_ =	shalt  }
0x74: {  	_ =	shalt  }
0x75: {  	_ =	shalt  }
0x76: {  	_ =	shalt  }
0x77: {  	_ =	shalt  }
0x78: {  	_ =	shalt  }
0x79: {  	_ =	shalt  }
0x7a: {  	_ =	shalt  }
0x7b: {  	_ =	shalt  }
0x7c: {  	_ =	shalt  }
0x7d: {  	_ =	shalt  }
0x7e: {  	_ =	shalt  }
0x7f: {  	_ =	shalt  }
0x80: {  	_ =	shalt  }
0x81: {  	_ =	shalt  }
0x82: {  	_ =	shalt  }
0x83: {  	_ =	shalt  }
0x84: {  	_ =	shalt  }
0x85: {  	_ =	shalt  }
0x86: {  	_ =	shalt  }
0x87: {  	_ =	shalt  }
.Lfunc_end0:
.L_simem_size_0:
called_computation_lowered:
.L_overlay_start_0:
0x88: {  	s2 =	sld [smem:$0x3FD9]  }
0x89: {  	s3 =	sld [smem:$0x3FFE];
	_ =	sdelay $0x1  }
0x8a: {  	s1 =	srdreg.scid  }
0x8b: {  	s0 =	sand.u32 $0x1, s1  }
0x8c: {  	s17 =	sshll.u32 s0, $0xA;
	s2 =	sadd.s32 s3, s2  }
0x8d: {  	s2 =	sadd.s32 s2, s17  }
0x8e: {  	[smem:$0x3FC6] =	sst s2  }
0x8f: {  	_ = 	snop  }
0x90: {  	s2 =	sld [smem:$0x3FC8]  }
0x91: {  	s18 =	sld [smem:$0x3FD0];
	(tm) =	ssettm $0x1  }
0x92: {  	s4 =	sld [smem:$0x3FFB];
	_ =	sdelay $0x3  }
0x93: {  	_ =	strace s4  }
0x94: {  	s4 =	sld [smem:$0x3FFC];
	_ =	sdelay $0x3  }
0x95: {  	_ =	strace s4  }
0x96: {  	s4 =	sld [smem:$0x3FFD];
	_ =	sdelay $0x3  }
0x97: {  	_ =	strace s4  }
0x98: {  	_ =	strace $0x8FFFFFFF  }
0x99: {  	s19 =	sld [smem:$0x3FDB];
	_ =	sdelay $0x1  }
0x9a: {  	s5 =	simm.s32 $_scs_section_size  }
0x9b: {  	s6 =	simm.s32 $_size__tile_overlayer_lowered;
	s7 =	simm.s32 $_tile_overlayer_lowered  }
0x9c: {  	s22 =	simm.s32 $0x1BFF;
	s21 =	sshll.u32 s7, $0x1;
	s4 =	sadd.s32 s5, s19  }
0x9d: {  	s8 =	simm.s32 $0x0;
	s20 =	sshll.u32 s6, $0x1;
	s6 =	sadd.s32 s21, s4  }
0x9e: {  	[timem:s8], [sflag:s22] =	dma.local [hbm:s6], s20  }
0x9f: {  	_ =	swait.ge [sflag:s22], s20  }
0xa0: {  	s5 =	ssub.s32 $0x0, s20;
	[sflag:s22] =	ssyncset.done $0x0  }
0xa1: {  	[sflag:s22] =	ssyncadd.s32 s5;
	_ =	sdelay $0x1  }
0xa2: {  	s23 =	simm.s32 $0x1B8B  }
0xa3: {  	_ =	swait.ge [sflag:s23], $0x1  }
0xa4: {  	[sflag:s23] =	ssyncset.done $0x0  }
0xa5: {  	s25 =	simm.s32 $0x1B8E;
	s24 =	sld [smem:$0x3FFE];
	[sflag:s23] =	ssyncadd.s32 $0xFFFFFFFF  }
0xa6: {  	s26 =	simm.s32 $execute0_lowered;
	[smem:$0x3FD2] =	sst s25  }
0xa7: {  	s6 =	sshll.u32 s26, $0x1;
	_ =	strace $0x80000046;
	[dreg:$0x1] =	wrdreg $0xFFFFFFFF  }
0xa8: {  	s28 =	simm.s32 $_size_execute0_lowered;
	s4 =	sadd.s32 s4, s6;
	[dreg:$0x0] =	wrdreg $0x0  }
0xa9: {  	s6 =	sshll.u32 s28, $0x1;
	[dreg:$0x2] =	wrdreg s4  }
0xaa: {  	[dreg:$0x3] =	wrdreg s6  }
0xab: {  	[dreg:$0x4] =	wrdreg $0xC0  }
0xac: {  	_ =	task [dreg:s8], $0x5FFFF  }
0xad: {  	[dreg:$0x1] =	wrdreg $0xFFFFFFFF  }
0xae: {  	[dreg:$0x0] =	wrdreg $0x60  }
0xaf: {  	[dreg:$0x2] =	wrdreg s24  }
0xb0: {  	[dreg:$0x3] =	wrdreg s2  }
0xb1: {  	[dreg:$0x4] =	wrdreg s18  }
0xb2: {  	[dreg:$0x5] =	wrdreg $0x9  }
0xb3: {  	_ =	task.clear_ibuf [dreg:s8], $0x6FFFF;
	_ =	strace $0x90000046  }
0xb4: {  	s29 =	simm.s32 $0x9;
	_ =	strace $0x80000048  }
0xb5: {  	_ =	swait.ge [sflag:s29], $0x1  }
0xb6: {  	[sflag:s29] =	ssyncadd.s32 $0xFFFFFFFF  }
0xb7: {  	_ =	strace $0x90000048  }
0xb8: {  	_ =	sfence  }
0xb9: {  	s30 =	sld [smem:$0x0];
	_ =	sdelay $0x2  }
0xba: {  	s31 =	sshll.u32 s1, $0xD;
	s1 =	sshrl.u32 s1, $0x2  }
0xbb: {  	s3 =	sand.u32 $0x4000, s31;
	s1 =	sadd.s32 s1, s30  }
0xbc: {  	s0 =	sor.u32 s3, s0;
	s1 =	sshll.u32 s1, $0x11  }
0xbd: {  	s0 =	sor.u32 s1, s0  }
0xbe: {  	s0 =	sadd.s32 $0x8F2B, s0  }
0xbf: {  	[sflag:s0] =	ssyncadd.remote.s32 $0x1  }
0xc0: {  	_ =	sfence.sel $0xFFFF  }
0xc1: {  	[dreg:$0x0] =	wrdreg $0xFFFFFFFF;
	(pc) =	sbr.abs _section_cstart, $3  }
0xc2: {  	[dreg:$0x1] =	wrdreg $0xFFFFFFFF  }
0xc3: {  	_ =	task.clear_ibuf [dreg:s8], $0x2FFFF;
	_ =	strace $0x9FFFFFFF  }
0xc4: {  	(tm) =	ssettm $0x7FFFFFFF  }
0xc5: {  	_ =	shalt  }
tec
execute0_lowered:
.L_overlay_start_1:
0x0: {  	(tag) =	ssettag $0x1  }
0x1: {  	s1 =	rddreg [dreg:$0x0]  }
0x2: {  	s0 =	srdreg.scid;
	s2 =	rddreg [dreg:$0x1]  }
0x3: {  	s10 =	stileid.u32;
	s6 =	rddreg [dreg:$0x2]  }
0x4: {  	s17 =	simm.s32 $0xB;
	s18 =	simm.s32 $0x80;
	s28 =	simm.s32 $0x1  }
0x5: {  	s0 =	sand.u32 $0x1, s0;
	s3 =	sshll.u32 s10, $0x1;
	s25 =	smul.u32 $0xC8000, s10  }
0x6: {  	s5 =	sor.u32 s0, s3;
	s8 =	ssub.s32 $0x2, s0;
	s0 =	smul.u32 $0x64000, s0  }
0x7: {  	s29 =	simm.s32 $0x2;
	s30 =	simm.s32 $0x6;
	s4 =	smul.u32 $0x6400, s5  }
0x8: {  	s31 =	simm.s32 $0x9;
	s3 =	simm.s32 $0x0;
	s7 =	smul.u32 $0x64000, s5  }
0x9: {  	[smem:$0x7FF] =	sst s3;
	s9 =	sshrl.u32 s8, $0x1;
	s5 =	smul.u32 $0x320000, s5  }
0xa: {  	_ =	strace $0x80000047;
	s19 =	ssub.s32 s8, s9;
	s4 =	sshrl.u32 s4, $0x3  }
0xb: {  	s23 =	sshrl.u32 s5, $0x3;
	s5 =	sadd.s32 s25, s6;
	s1 =	sadd.s32 s4, s1  }
0xc: {  	s15 =	smax.u32 s19, $0x1;
	s4 =	sadd.s32 s6, s7;
	s1 =	sadd.s32 $0x400, s1  }
0xd: {  	s19 =	simm.s32 $0x6400;
	s20 =	sadd.s32 $0x800, s4;
	[dreg:$0x4] =	wrdreg s1  }
0xe: {  	s25 =	simm.s32 $0x8;
	s21 =	sadd.s32 $0x1000, s4;
	[dreg:$0x5] =	wrdreg s20  }
0xf: {  	s0 =	sadd.s32 s0, s5;
	s22 =	sadd.s32 $0x1800, s4;
	[dreg:$0x6] =	wrdreg s21  }
0x10: {  	s5 =	simm.s32 $0xA;
	s24 =	sadd.s32 $0x2000, s4;
	[dreg:$0x7] =	wrdreg s22  }
0x11: {  	s16 =	sadd.s32 $0x4800, s0;
	s0 =	simm.s32 $0x7;
	[dreg:$0x8] =	wrdreg s24  }
0x12: {  	s1 =	sadd.s32 s6, s23;
	s20 =	simm.s32 $0xA400;
	s22 =	simm.s32 $0xE400  }
0x13: {  	s24 =	simm.s32 $0x12400;
	s23 =	simm.s32 $0x4;
	s21 =	simm.s32 $0x5  }
0x14: {  	s6 =	simm.s32 $0x0;
	s26 =	sadd.s32 $0x61800, s1;
	s11 =	sadd.s32 $0x62000, s1  }
0x15: {  	s12 =	sadd.s32 $0x62800, s1;
	s13 =	sadd.s32 $0x63000, s1;
	s14 =	sadd.s32 $0x63800, s1  }
0x16: {  	s1 =	simm.s32 $0x3;
	[dreg:$0x9] =	wrdreg s26;
	s26 =	simm.s32 $0x16400  }
.LBB2_1:
0x17: {  	s7 =	rddreg [dreg:$0x4]  }
0x18: {  	[tilespmem:s3], [sflag:$0xB] =	stream.linear.gather [hbm4b:s7+s3], $0x6400, $0x38;
	[tilespmem:$0x1A400] =	vst v63  }
0x19: {  	_ =	swait.ge [sflag:s17], $0x6400  }
0x1a: {  	[sflag:s17] =	ssyncset.done $0x0  }
0x1b: {  	[sflag:s17] =	ssyncadd.s32 $0xFFFF9C00  }
0x1c: {  	[tilespmem:s19], [sflag:$0x1] =	stream.indirect.gather [hbm4b:s2+s18], $0x80, s3, s18, $0xb8;
	[tilespmem:$0x1A400] =	vst v63  }
0x1d: {  	_ = 	snop  }
0x1e: {  	[tilespmem:s20], [sflag:$0x2] =	stream.indirect.gather [hbm4b:s2+s18], $0x80, s18, s18, $0xb8;
	[tilespmem:$0x1A400] =	vst v63  }
0x1f: {  	s10 =	simm.s32 $0x100  }
0x20: {  	[tilespmem:s22], [sflag:$0x3] =	stream.indirect.gather [hbm4b:s2+s18], $0x80, s10, s18, $0xb8;
	[tilespmem:$0x1A400] =	vst v63  }
0x21: {  	s8 =	simm.s32 $0x180  }
0x22: {  	[tilespmem:s24], [sflag:$0x4] =	stream.indirect.gather [hbm4b:s2+s18], $0x80, s8, s18, $0xb8;
	[tilespmem:$0x1A400] =	vst v63  }
0x23: {  	s9 =	simm.s32 $0x200  }
0x24: {  	[tilespmem:s26], [sflag:$0x5] =	stream.indirect.gather [hbm4b:s2+s18], $0x80, s9, s18, $0xb8;
	[tilespmem:$0x1A400] =	vst v63  }
0x25: {  	_ =	swait.ge [sflag:s28], $0x4000  }
0x26: {  	[sflag:s28] =	ssyncset.done $0x0  }
0x27: {  	[sflag:s28] =	ssyncadd.s32 $0xFFFFC000  }
0x28: {  	[hbm4b:s4+s3] =	stream.linear.scatter [tilespmem:s19], [sflag:$0x6], $0x4000, $0x38;
	[tilespmem:$0x1A400] =	vst v63  }
0x29: {  	_ =	swait.ge [sflag:s29], $0x4000  }
0x2a: {  	[sflag:s29] =	ssyncset.done $0x0  }
0x2b: {  	s10 =	rddreg [dreg:$0x5];
	[sflag:s29] =	ssyncadd.s32 $0xFFFFC000  }
0x2c: {  	[hbm4b:s10+s3] =	stream.linear.scatter [tilespmem:s20], [sflag:$0x7], $0x4000, $0x38;
	[tilespmem:$0x1A400] =	vst v63  }
0x2d: {  	_ =	swait.ge [sflag:s30], $0x4000  }
0x2e: {  	[sflag:s30] =	ssyncset.done $0x0  }
0x2f: {  	s8 =	simm.s32 $0x280;
	[sflag:s30] =	ssyncadd.s32 $0xFFFFC000  }
0x30: {  	[tilespmem:s19], [sflag:$0x1] =	stream.indirect.gather [hbm4b:s2+s18], $0x80, s8, s18, $0xb8;
	[tilespmem:$0x1A400] =	vst v63  }
0x31: {  	_ =	swait.ge [sflag:s1], $0x4000  }
0x32: {  	[sflag:s1] =	ssyncset.done $0x0  }
0x33: {  	s9 =	rddreg [dreg:$0x6];
	[sflag:s1] =	ssyncadd.s32 $0xFFFFC000  }
0x34: {  	[hbm4b:s9+s3] =	stream.linear.scatter [tilespmem:s22], [sflag:$0x8], $0x4000, $0x38;
	[tilespmem:$0x1A400] =	vst v63  }
0x35: {  	_ =	swait.ge [sflag:s0], $0x4000  }
0x36: {  	[sflag:s0] =	ssyncset.done $0x0  }
0x37: {  	s10 =	simm.s32 $0x300;
	[sflag:s0] =	ssyncadd.s32 $0xFFFFC000  }
0x38: {  	[tilespmem:s20], [sflag:$0x2] =	stream.indirect.gather [hbm4b:s2+s18], $0x80, s10, s18, $0xb8;
	[tilespmem:$0x1A400] =	vst v63  }
0x39: {  	_ =	swait.ge [sflag:s23], $0x4000  }
0x3a: {  	[sflag:s23] =	ssyncset.done $0x0  }
0x3b: {  	s8 =	rddreg [dreg:$0x7];
	[sflag:s23] =	ssyncadd.s32 $0xFFFFC000  }
0x3c: {  	[hbm4b:s8+s3] =	stream.linear.scatter [tilespmem:s24], [sflag:$0x9], $0x4000, $0x38;
	[tilespmem:$0x1A400] =	vst v63  }
0x3d: {  	_ =	swait.ge [sflag:s25], $0x4000  }
0x3e: {  	[sflag:s25] =	ssyncset.done $0x0  }
0x3f: {  	s9 =	simm.s32 $0x380;
	[sflag:s25] =	ssyncadd.s32 $0xFFFFC000  }
0x40: {  	[tilespmem:s22], [sflag:$0x3] =	stream.indirect.gather [hbm4b:s2+s18], $0x80, s9, s18, $0xb8;
	[tilespmem:$0x1A400] =	vst v63  }
0x41: {  	_ =	swait.ge [sflag:s21], $0x4000  }
0x42: {  	[sflag:s21] =	ssyncset.done $0x0  }
0x43: {  	s10 =	rddreg [dreg:$0x8];
	[sflag:s21] =	ssyncadd.s32 $0xFFFFC000  }
0x44: {  	[hbm4b:s10+s3] =	stream.linear.scatter [tilespmem:s26], [sflag:$0xA], $0x4000, $0x38;
	[tilespmem:$0x1A400] =	vst v63  }
0x45: {  	_ =	swait.ge [sflag:s31], $0x4000  }
0x46: {  	[sflag:s31] =	ssyncset.done $0x0  }
0x47: {  	s8 =	simm.s32 $0x400;
	[sflag:s31] =	ssyncadd.s32 $0xFFFFC000  }
0x48: {  	[tilespmem:s24], [sflag:$0x4] =	stream.indirect.gather [hbm4b:s2+s18], $0x80, s8, s18, $0xb8;
	[tilespmem:$0x1A400] =	vst v63  }
0x49: {  	_ =	swait.ge [sflag:s28], $0x4000  }
0x4a: {  	[sflag:s28] =	ssyncset.done $0x0  }
0x4b: {  	s9 =	sadd.s32 $0xFFFFE000, s16;
	[sflag:s28] =	ssyncadd.s32 $0xFFFFC000  }
0x4c: {  	[hbm4b:s9+s3] =	stream.linear.scatter [tilespmem:s19], [sflag:$0x6], $0x4000, $0x38;
	[tilespmem:$0x1A400] =	vst v63  }
0x4d: {  	_ =	swait.ge [sflag:s5], $0x4000  }
0x4e: {  	[sflag:s5] =	ssyncset.done $0x0  }
0x4f: {  	s10 =	simm.s32 $0x480;
	[sflag:s5] =	ssyncadd.s32 $0xFFFFC000  }
0x50: {  	[tilespmem:s26], [sflag:$0x5] =	stream.indirect.gather [hbm4b:s2+s18], $0x80, s10, s18, $0xb8;
	[tilespmem:$0x1A400] =	vst v63  }
0x51: {  	_ =	swait.ge [sflag:s29], $0x4000  }
0x52: {  	[sflag:s29] =	ssyncset.done $0x0  }
0x53: {  	s8 =	sadd.s32 $0xFFFFE800, s16;
	[sflag:s29] =	ssyncadd.s32 $0xFFFFC000  }
0x54: {  	[hbm4b:s8+s3] =	stream.linear.scatter [tilespmem:s20], [sflag:$0x7], $0x4000, $0x38;
	[tilespmem:$0x1A400] =	vst v63  }
0x55: {  	_ =	swait.ge [sflag:s30], $0x4000  }
0x56: {  	[sflag:s30] =	ssyncset.done $0x0  }
0x57: {  	s9 =	simm.s32 $0x500;
	[sflag:s30] =	ssyncadd.s32 $0xFFFFC000  }
0x58: {  	[tilespmem:s19], [sflag:$0x1] =	stream.indirect.gather [hbm4b:s2+s18], $0x80, s9, s18, $0xb8;
	[tilespmem:$0x1A400] =	vst v63  }
0x59: {  	_ =	swait.ge [sflag:s1], $0x4000  }
0x5a: {  	[sflag:s1] =	ssyncset.done $0x0  }
0x5b: {  	s10 =	sadd.s32 $0xFFFFF000, s16;
	[sflag:s1] =	ssyncadd.s32 $0xFFFFC000  }
0x5c: {  	[hbm4b:s10+s3] =	stream.linear.scatter [tilespmem:s22], [sflag:$0x8], $0x4000, $0x38;
	[tilespmem:$0x1A400] =	vst v63  }
0x5d: {  	_ =	swait.ge [sflag:s0], $0x4000  }
0x5e: {  	[sflag:s0] =	ssyncset.done $0x0  }
0x5f: {  	s8 =	simm.s32 $0x580;
	[sflag:s0] =	ssyncadd.s32 $0xFFFFC000  }
0x60: {  	[tilespmem:s20], [sflag:$0x2] =	stream.indirect.gather [hbm4b:s2+s18], $0x80, s8, s18, $0xb8;
	[tilespmem:$0x1A400] =	vst v63  }
0x61: {  	_ =	swait.ge [sflag:s23], $0x4000  }
0x62: {  	[sflag:s23] =	ssyncset.done $0x0  }
0x63: {  	s9 =	sadd.s32 $0xFFFFF800, s16;
	[sflag:s23] =	ssyncadd.s32 $0xFFFFC000  }
0x64: {  	[hbm4b:s9+s3] =	stream.linear.scatter [tilespmem:s24], [sflag:$0x9], $0x4000, $0x38;
	[tilespmem:$0x1A400] =	vst v63  }
0x65: {  	_ =	swait.ge [sflag:s25], $0x4000  }
0x66: {  	[sflag:s25] =	ssyncset.done $0x0  }
0x67: {  	s10 =	simm.s32 $0x600;
	[sflag:s25] =	ssyncadd.s32 $0xFFFFC000  }
0x68: {  	[tilespmem:s22], [sflag:$0x3] =	stream.indirect.gather [hbm4b:s2+s18], $0x80, s10, s18, $0xb8;
	[tilespmem:$0x1A400] =	vst v63  }
0x69: {  	_ =	swait.ge [sflag:s21], $0x4000  }
0x6a: {  	[sflag:s21] =	ssyncset.done $0x0  }
0x6b: {  	[sflag:s21] =	ssyncadd.s32 $0xFFFFC000  }
0x6c: {  	[hbm4b:s16+s3] =	stream.linear.scatter [tilespmem:s26], [sflag:$0xA], $0x4000, $0x38;
	[tilespmem:$0x1A400] =	vst v63  }
0x6d: {  	_ =	swait.ge [sflag:s31], $0x4000  }
0x6e: {  	s7 =	simm.s32 $0xA00;
	[sflag:s31] =	ssyncset.done $0x0  }
0x6f: {  	s8 =	sadd.s32 $0x2800, s16;
	s9 =	simm.s32 $0x680;
	[sflag:s31] =	ssyncadd.s32 $0xFFFFC000  }
.LBB2_2:
0x70: {  	[tilespmem:s24], [sflag:$0x4] =	stream.indirect.gather [hbm4b:s2+s18], $0x80, s9, s18, $0xb8;
	[tilespmem:$0x1A400] =	vst v63  }
0x71: {  	s9 =	smov.u32 s7  }
0x72: {  	p0 =	sne.s32 s7, $0x17200;
	s7 =	sadd.s32 $0xA00, s7;
	_ =	swait.ge [sflag:s28], $0x4000  }
0x73: {  	[sflag:s28] =	ssyncset.done $0x0  }
0x74: {  	s10 =	sadd.s32 $0xFFFFE000, s8;
	[sflag:s28] =	ssyncadd.s32 $0xFFFFC000  }
0x75: {  	[hbm4b:s10+s3] =	stream.linear.scatter [tilespmem:s19], [sflag:$0x6], $0x4000, $0x38;
	[tilespmem:$0x1A400] =	vst v63  }
0x76: {  	_ =	swait.ge [sflag:s5], $0x4000  }
0x77: {  	s9 =	sshra.s32 s9, $0x2;
	[sflag:s5] =	ssyncset.done $0x0  }
0x78: {  	s10 =	sadd.s32 $0x480, s9;
	[sflag:s5] =	ssyncadd.s32 $0xFFFFC000  }
0x79: {  	[tilespmem:s26], [sflag:$0x5] =	stream.indirect.gather [hbm4b:s2+s18], $0x80, s10, s18, $0xb8;
	[tilespmem:$0x1A400] =	vst v63  }
0x7a: {  	_ =	swait.ge [sflag:s29], $0x4000  }
0x7b: {  	[sflag:s29] =	ssyncset.done $0x0  }
0x7c: {  	s10 =	sadd.s32 $0xFFFFE800, s8;
	[sflag:s29] =	ssyncadd.s32 $0xFFFFC000  }
0x7d: {  	[hbm4b:s10+s3] =	stream.linear.scatter [tilespmem:s20], [sflag:$0x7], $0x4000, $0x38;
	[tilespmem:$0x1A400] =	vst v63  }
0x7e: {  	_ =	swait.ge [sflag:s30], $0x4000  }
0x7f: {  	[sflag:s30] =	ssyncset.done $0x0  }
0x80: {  	s10 =	sadd.s32 $0x500, s9;
	[sflag:s30] =	ssyncadd.s32 $0xFFFFC000  }
0x81: {  	[tilespmem:s19], [sflag:$0x1] =	stream.indirect.gather [hbm4b:s2+s18], $0x80, s10, s18, $0xb8;
	[tilespmem:$0x1A400] =	vst v63  }
0x82: {  	_ =	swait.ge [sflag:s1], $0x4000  }
0x83: {  	[sflag:s1] =	ssyncset.done $0x0  }
0x84: {  	s10 =	sadd.s32 $0xFFFFF000, s8;
	[sflag:s1] =	ssyncadd.s32 $0xFFFFC000  }
0x85: {  	[hbm4b:s10+s3] =	stream.linear.scatter [tilespmem:s22], [sflag:$0x8], $0x4000, $0x38;
	[tilespmem:$0x1A400] =	vst v63  }
0x86: {  	_ =	swait.ge [sflag:s0], $0x4000  }
0x87: {  	[sflag:s0] =	ssyncset.done $0x0  }
0x88: {  	s10 =	sadd.s32 $0x580, s9;
	[sflag:s0] =	ssyncadd.s32 $0xFFFFC000  }
0x89: {  	[tilespmem:s20], [sflag:$0x2] =	stream.indirect.gather [hbm4b:s2+s18], $0x80, s10, s18, $0xb8;
	[tilespmem:$0x1A400] =	vst v63  }
0x8a: {  	_ =	swait.ge [sflag:s23], $0x4000  }
0x8b: {  	[sflag:s23] =	ssyncset.done $0x0  }
0x8c: {  	s10 =	sadd.s32 $0xFFFFF800, s8;
	[sflag:s23] =	ssyncadd.s32 $0xFFFFC000  }
0x8d: {  	[hbm4b:s10+s3] =	stream.linear.scatter [tilespmem:s24], [sflag:$0x9], $0x4000, $0x38;
	[tilespmem:$0x1A400] =	vst v63  }
0x8e: {  	_ =	swait.ge [sflag:s25], $0x4000  }
0x8f: {  	[sflag:s25] =	ssyncset.done $0x0  }
0x90: {  	s10 =	sadd.s32 $0x600, s9;
	[sflag:s25] =	ssyncadd.s32 $0xFFFFC000  }
0x91: {  	[tilespmem:s22], [sflag:$0x3] =	stream.indirect.gather [hbm4b:s2+s18], $0x80, s10, s18, $0xb8;
	[tilespmem:$0x1A400] =	vst v63  }
0x92: {  	_ =	swait.ge [sflag:s21], $0x4000  }
0x93: {  	[sflag:s21] =	ssyncset.done $0x0  }
.Ltmp0:
0x94: {  	[sflag:s21] =	ssyncadd.s32 $0xFFFFC000;
	(pc) =	sbr.rel @p0 .LBB2_2-.Ltmp0, $4  }
0x95: {  	[hbm4b:s8+s3] =	stream.linear.scatter [tilespmem:s26], [sflag:$0xA], $0x4000, $0x38;
	[tilespmem:$0x1A400] =	vst v63  }
0x96: {  	_ =	swait.ge [sflag:s31], $0x4000  }
0x97: {  	[sflag:s31] =	ssyncset.done $0x0  }
0x98: {  	s9 =	sadd.s32 $0x680, s9;
	s8 =	sadd.s32 $0x2800, s8;
	[sflag:s31] =	ssyncadd.s32 $0xFFFFC000  }
0x99: {  	[tilespmem:s24], [sflag:$0x4] =	stream.indirect.gather [hbm4b:s2+s18], $0x80, s9, s18, $0xb8;
	[tilespmem:$0x1A400] =	vst v63  }
0x9a: {  	_ =	swait.ge [sflag:s28], $0x4000  }
0x9b: {  	[sflag:s28] =	ssyncset.done $0x0  }
0x9c: {  	s7 =	rddreg [dreg:$0x9];
	[sflag:s28] =	ssyncadd.s32 $0xFFFFC000  }
0x9d: {  	[hbm4b:s7+s3] =	stream.linear.scatter [tilespmem:s19], [sflag:$0x6], $0x4000, $0x38;
	[tilespmem:$0x1A400] =	vst v63  }
0x9e: {  	_ =	swait.ge [sflag:s5], $0x4000  }
0x9f: {  	[sflag:s5] =	ssyncset.done $0x0  }
0xa0: {  	s10 =	simm.s32 $0x6380;
	[sflag:s5] =	ssyncadd.s32 $0xFFFFC000  }
0xa1: {  	[tilespmem:s26], [sflag:$0x5] =	stream.indirect.gather [hbm4b:s2+s18], $0x80, s10, s18, $0xb8;
	[tilespmem:$0x1A400] =	vst v63  }
0xa2: {  	_ =	swait.ge [sflag:s29], $0x4000  }
0xa3: {  	[sflag:s29] =	ssyncset.done $0x0  }
0xa4: {  	[sflag:s29] =	ssyncadd.s32 $0xFFFFC000  }
0xa5: {  	[hbm4b:s11+s3] =	stream.linear.scatter [tilespmem:s20], [sflag:$0x7], $0x4000, $0x38;
	[tilespmem:$0x1A400] =	vst v63  }
0xa6: {  	_ =	swait.ge [sflag:s1], $0x4000  }
0xa7: {  	[sflag:s1] =	ssyncset.done $0x0  }
0xa8: {  	[sflag:s1] =	ssyncadd.s32 $0xFFFFC000  }
0xa9: {  	[hbm4b:s12+s3] =	stream.linear.scatter [tilespmem:s22], [sflag:$0x8], $0x4000, $0x38;
	[tilespmem:$0x1A400] =	vst v63  }
0xaa: {  	_ =	swait.ge [sflag:s23], $0x4000  }
0xab: {  	[sflag:s23] =	ssyncset.done $0x0  }
0xac: {  	[sflag:s23] =	ssyncadd.s32 $0xFFFFC000  }
0xad: {  	[hbm4b:s13+s3] =	stream.linear.scatter [tilespmem:s24], [sflag:$0x9], $0x4000, $0x38;
	[tilespmem:$0x1A400] =	vst v63  }
0xae: {  	_ =	swait.ge [sflag:s21], $0x4000  }
0xaf: {  	[sflag:s21] =	ssyncset.done $0x0  }
0xb0: {  	[sflag:s21] =	ssyncadd.s32 $0xFFFFC000  }
0xb1: {  	[hbm4b:s14+s3] =	stream.linear.scatter [tilespmem:s26], [sflag:$0xA], $0x4000, $0x38;
	[tilespmem:$0x1A400] =	vst v63  }
0xb2: {  	_ =	swait.ge [sflag:s30], $0x4000  }
0xb3: {  	[sflag:s30] =	ssyncset.done $0x0  }
0xb4: {  	[sflag:s30] =	ssyncadd.s32 $0xFFFFC000  }
0xb5: {  	_ =	swait.ge [sflag:s0], $0x4000  }
0xb6: {  	[sflag:s0] =	ssyncset.done $0x0  }
0xb7: {  	[sflag:s0] =	ssyncadd.s32 $0xFFFFC000  }
0xb8: {  	_ =	swait.ge [sflag:s25], $0x4000  }
0xb9: {  	[sflag:s25] =	ssyncset.done $0x0  }
0xba: {  	s6 =	sadd.s32 $0x1, s6;
	[sflag:s25] =	ssyncadd.s32 $0xFFFFC000  }
0xbb: {  	p0 =	sne.s32 s6, s15;
	_ =	swait.ge [sflag:s31], $0x4000  }
.Ltmp1:
0xbc: {  	[sflag:s31] =	ssyncset.done $0x0;
	(pc) =	sbr.rel @p0 .LBB2_1-.Ltmp1, $4  }
0xbd: {  	[sflag:s31] =	ssyncadd.s32 $0xFFFFC000  }
0xbe: {  	_ =	swait.ge [sflag:s5], $0x4000  }
0xbf: {  	[sflag:s5] =	ssyncset.done $0x0  }
0xc0: {  	[sflag:s5] =	ssyncadd.s32 $0xFFFFC000  }
0xc1: {  	_ =	sfence.sel $0x180000  }
0xc2: {  	[bflag:$0x0] =	sbarrier.arrive $0xFFFF  }
0xc3: {  	_ =	strace $0x90000047  }
0xc4: {  	s0 =	stileid.u32;
	[bflag:$0x2] =	sbarrier.arrive $0xFFFF  }
0xc5: {  	p0 =	sne.s32 s0, $0x0;
	s0 =	rddreg [dreg:$0x3]  }
0xc6: {  	s0 =	sadd.s32 @!p0 $0x100000, s0  }
0xc7: {  	[sflag:s0] =	ssyncadd.tile.s32 @!p0 $0x1;
	_ =	shalt  }
.Lfunc_end2:
_tile_overlayer_lowered:
.L_overlay_start_2:
0xc8: {  	(tag) =	ssettag $0x2  }
0xc9: {  	s0 =	rddreg [dreg:$0x0];
	s2 =	stileid.u32  }
0xca: {  	s1 =	rddreg [dreg:$0x1];
	p0 =	sne.s32 s2, $0x0  }
0xcb: {  	s3 =	rddreg [dreg:$0x2];
	[bflag:$0x3] =	sbarrier.arrive $0xFFFF;
	s2 =	simm.s32 @!p0 $0x1C0B  }
0xcc: {  	[timem:s3], [sflag:s2] =	dma.local @!p0 [hbm:s0], s1  }
0xcd: {  	s0 =	simm.s32 @!p0 $0xB  }
0xce: {  	_ =	swait.ge @!p0 [sflag:s0], s1  }
0xcf: {  	s1 =	ssub.s32 @!p0 $0x0, s1;
	[sflag:s0] =	ssyncset.done @!p0 $0x0  }
0xd0: {  	[sflag:s0] =	ssyncadd.s32 @!p0 s1  }
0xd1: {  	[bflag:$0x3] =	sbarrier.arrive $0xFFFF  }
0xd2: {  	_ =	shalt  }

</sc_bundles>
